<compile_context>
chip_gen: v7x
topology: tpu7x:2x2x1
jax: 0.10.2.dev20260603
libtpu: 0.0.44.dev20260713+nightly
codegen_flags: <defaults>
</compile_context>

<pallas_src>
import jax
import jax.numpy as jnp
from jax import lax
from jax.experimental import pallas as pl
from jax.experimental.pallas import tpu as pltpu
from jax.experimental.pallas import tpu_sc as plsc

NUM_CORES = 2
NUM_SUBCORES = 16
NUM_WORKERS = NUM_CORES * NUM_SUBCORES

NB = 16384
S = 50
B = NB * S
D = 64
BATCHES_PW = NB // NUM_WORKERS
BPW = B // NUM_WORKERS
CB = 16
CHUNK = CB * S
NCHUNKS = BATCHES_PW // CB
assert BATCHES_PW % CB == 0 and NCHUNKS % 2 == 0


def _gather_body(table_hbm, idx_hbm, out3_hbm, idx_v, rows0, rows1, sem0, sem1):
    wid = lax.axis_index("s") * NUM_CORES + lax.axis_index("c")
    base = wid * BPW
    bbase = wid * BATCHES_PW
    pltpu.sync_copy(idx_hbm.at[pl.ds(base, BPW)], idx_v)

    def src(j):
        return table_hbm.at[idx_v.at[pl.ds(j * CHUNK, CHUNK)]]

    def write_chunk(j, rows):
        b0 = bbase + j * CB
        for b in range(CB):
            pltpu.sync_copy(rows.at[pl.ds(b * S, S)], out3_hbm.at[b0 + b])

    pltpu.async_copy(src(0), rows0, sem0)

    @pl.loop(0, NCHUNKS, step=2)
    def _(g):
        pltpu.make_async_copy(src(g), rows0, sem0).wait()
        pltpu.async_copy(src(g + 1), rows1, sem1)
        write_chunk(g, rows0)
        pltpu.make_async_copy(src(g + 1), rows1, sem1).wait()

        @pl.when(g + 2 < NCHUNKS)
        def _():
            pltpu.async_copy(src(g + 2), rows0, sem0)

        write_chunk(g + 1, rows1)


@jax.jit
def _gather(table, idx_flat):
    mesh = plsc.VectorSubcoreMesh(
        core_axis_name="c",
        subcore_axis_name="s",
        num_cores=NUM_CORES,
        num_subcores=NUM_SUBCORES,
    )
    fn = pl.kernel(
        _gather_body,
        out_type=jax.ShapeDtypeStruct((NB, S, D), jnp.float32),
        mesh=mesh,
        compiler_params=pltpu.CompilerParams(use_tc_tiling_on_sc=False),
        scratch_types=[
            pltpu.VMEM((BPW,), jnp.int32),
            pltpu.VMEM((CHUNK, D), jnp.float32),
            pltpu.VMEM((CHUNK, D), jnp.float32),
            pltpu.SemaphoreType.DMA,
            pltpu.SemaphoreType.DMA,
        ],
    )
    return fn(table, idx_flat)


def kernel(x, table):
    idx_flat = x.reshape(-1).astype(jnp.int32)
    table_lin = lax.optimization_barrier(table.reshape(-1))
    return _gather(table_lin.reshape(table.shape), idx_flat)

# --- scband reference (transcript-rebuilt; emitter-appended) ---
"""Pipeline reference for scband-item-model-idemb-6021544149230 (READ-ONLY COPY).

The authoritative reference and input builder live on the scoring server;
editing this copy changes nothing except your own understanding.
"""

import jax, jax.numpy as jnp
import numpy as np

N_ITEMS = 1000000
FACTORS = 64

def setup_inputs(seed: int = 0) -> dict:
    key = jax.random.key(seed)
    k_idx, k_w = jax.random.split(key)
    x = jax.random.randint(k_idx, (16384, 50), 0, N_ITEMS, dtype=jnp.int64 if jax.config.jax_enable_x64 else jnp.int32)
    # nn.Embedding default init: N(0,1); padding_idx=0 row zeroed
    table = jax.random.normal(k_w, (N_ITEMS, FACTORS), dtype=jnp.float32)
    table = table.at[0].set(0.0)
    return {"x": x, "table": table}

def reference(x, table):
    # Embedding lookup with padding_idx=0 (row 0 is zeros by construction).
    # Dropout(0.2) is identity in eval mode.
    emb = jnp.take(table, x, axis=0)
    # Explicitly enforce padding semantics (output zeros for idx==0)
    emb = jnp.where((x == 0)[..., None], 0.0, emb)
    return emb

if __name__ == "__main__":
    import jax
    _d = setup_inputs()
    print(jax.jit(kernel)(*tuple(_d.values())))

</pallas_src>

<mosaic_0001>
#map = affine_map<(d0, d1) -> (0, 0)>
#map1 = affine_map<(d0, d1) -> (0)>
#map2 = affine_map<(d0, d1) -> (0, 0, 0)>
module attributes {stable_mosaic.version = 14 : i64} {
  func.func @_gather_body(%arg0: i32, %arg1: i32, %arg2: memref<1000000x64xf32, #tpu.memory_space<hbm>>, %arg3: memref<819200xi32, #tpu.memory_space<hbm>>, %arg4: memref<16384x50x64xf32, #tpu.memory_space<hbm>>, %arg5: memref<25600xi32, #tpu.memory_space<vmem>>, %arg6: memref<800x64xf32, #tpu.memory_space<vmem>>, %arg7: memref<800x64xf32, #tpu.memory_space<vmem>>, %arg8: memref<!tpu.dma_semaphore, #tpu.memory_space<semaphore_mem>>, %arg9: memref<!tpu.dma_semaphore, #tpu.memory_space<semaphore_mem>>) attributes {dimension_semantics = [#tpu.dimension_semantics<core_parallel>, #tpu.dimension_semantics<subcore_parallel>], iteration_bounds = array<i64: 2, 16>, scalar_prefetch = 0 : i64, scratch_operands = 5 : i64, tpu.core_type = #tpu.core_type<sc_vector_subcore>, window_params = [{transform_indices = #map}, {transform_indices = #map1}, {transform_indices = #map2}]} {
    %mul3A = arith.constant 2 : i32
    %mul3A_0 = arith.muli %arg1, %mul3A : i32
    %add3A = arith.addi %mul3A_0, %arg0 : i32
    %mul3A_1 = arith.constant 25600 : i32
    %mul3A_2 = arith.muli %add3A, %mul3A_1 : i32
    %mul3A_3 = arith.constant 512 : i32
    %mul3A_4 = arith.muli %add3A, %mul3A_3 : i32
    "tpu.region"() ({
      %run_scoped3A = tpu.sem_alloc : memref<!tpu.dma_semaphore, #tpu.memory_space<semaphore_mem>>
      %dma_start3A_13 = tpu.memref_slice %arg3[%mul3A_2] : memref<819200xi32, #tpu.memory_space<hbm>> -> memref<25600xi32, #tpu.memory_space<hbm>>
      %dma_start3A_14 = tpu.memref_slice %arg3[%mul3A_2] : memref<819200xi32, #tpu.memory_space<hbm>> -> memref<25600xi32, #tpu.memory_space<hbm>>
      tpu.enqueue_dma source(%dma_start3A_14 : memref<25600xi32, #tpu.memory_space<hbm>>) target(%arg5 : memref<25600xi32, #tpu.memory_space<vmem>>) target_semaphore(%run_scoped3A : memref<!tpu.dma_semaphore, #tpu.memory_space<semaphore_mem>>)
      %dma_wait3A = tpu.memref_slice %arg3[%mul3A_2] : memref<819200xi32, #tpu.memory_space<hbm>> -> memref<25600xi32, #tpu.memory_space<hbm>>
      %dma_wait3A_15 = tpu.memref_slice %arg3[%mul3A_2] : memref<819200xi32, #tpu.memory_space<hbm>> -> memref<25600xi32, #tpu.memory_space<hbm>>
      tpu.wait_dma2 semaphore(%run_scoped3A : memref<!tpu.dma_semaphore, #tpu.memory_space<semaphore_mem>>) src(%dma_wait3A_15 : memref<25600xi32, #tpu.memory_space<hbm>>) dst(%arg5 : memref<25600xi32, #tpu.memory_space<vmem>>)
      tpu.yield
    }) : () -> ()
    %dma_start3A = arith.constant 0 : i32
    %dma_start3A_5 = tpu.memref_slice %arg5[%dma_start3A] : memref<25600xi32, #tpu.memory_space<vmem>> -> memref<800xi32, #tpu.memory_space<vmem>>
    %dma_start3A_6 = arith.constant 0 : i32
    %dma_start3A_7 = arith.constant 0 : i32
    %dma_start3A_8 = tpu.memref_slice %arg2[%dma_start3A_6, %dma_start3A_7] : memref<1000000x64xf32, #tpu.memory_space<hbm>> -> memref<1000000x64xf32, #tpu.memory_space<hbm>>
    tpu.enqueue_indirect_dma source(%dma_start3A_8 : memref<1000000x64xf32, #tpu.memory_space<hbm>>) target(%arg6 : memref<800x64xf32, #tpu.memory_space<vmem>>) offsets(%dma_start3A_5 : memref<800xi32, #tpu.memory_space<vmem>>) semaphore(%arg8 : memref<!tpu.dma_semaphore, #tpu.memory_space<semaphore_mem>>)
    %scan3A = arith.constant 0 : i32
    %scan3A_9 = arith.constant 16 : i32
    %scan3A_10 = arith.addi %scan3A, %scan3A_9 : i32
    %scan3A_11 = arith.constant 1 : i32
    scf.for %scan3A_13 = %scan3A to %scan3A_10 step %scan3A_11  : i32 {
      %mul3A_14 = arith.constant 2 : i32
      %mul3A_15 = arith.muli %scan3A_13, %mul3A_14 : i32
      %add3A_16 = arith.constant 0 : i32
      %add3A_17 = arith.addi %add3A_16, %mul3A_15 : i32
      %mul3A_18 = arith.constant 800 : i32
      %mul3A_19 = arith.muli %add3A_17, %mul3A_18 : i32
      %dma_wait3A = tpu.memref_slice %arg5[%mul3A_19] : memref<25600xi32, #tpu.memory_space<vmem>> -> memref<800xi32, #tpu.memory_space<vmem>>
      %dma_wait3A_20 = arith.constant 0 : i32
      %dma_wait3A_21 = arith.constant 0 : i32
      %dma_wait3A_22 = tpu.memref_slice %arg2[%dma_wait3A_20, %dma_wait3A_21] : memref<1000000x64xf32, #tpu.memory_space<hbm>> -> memref<1000000x64xf32, #tpu.memory_space<hbm>>
      tpu.wait_indirect_dma semaphore(%arg8 : memref<!tpu.dma_semaphore, #tpu.memory_space<semaphore_mem>>) src(%dma_wait3A_22 : memref<1000000x64xf32, #tpu.memory_space<hbm>>) dst(%arg6 : memref<800x64xf32, #tpu.memory_space<vmem>>)
      %add3A_23 = arith.constant 1 : i32
      %add3A_24 = arith.addi %add3A_17, %add3A_23 : i32
      %mul3A_25 = arith.constant 800 : i32
      %mul3A_26 = arith.muli %add3A_24, %mul3A_25 : i32
      %dma_start3A_27 = tpu.memref_slice %arg5[%mul3A_26] : memref<25600xi32, #tpu.memory_space<vmem>> -> memref<800xi32, #tpu.memory_space<vmem>>
      %dma_start3A_28 = arith.constant 0 : i32
      %dma_start3A_29 = arith.constant 0 : i32
      %dma_start3A_30 = tpu.memref_slice %arg2[%dma_start3A_28, %dma_start3A_29] : memref<1000000x64xf32, #tpu.memory_space<hbm>> -> memref<1000000x64xf32, #tpu.memory_space<hbm>>
      tpu.enqueue_indirect_dma source(%dma_start3A_30 : memref<1000000x64xf32, #tpu.memory_space<hbm>>) target(%arg7 : memref<800x64xf32, #tpu.memory_space<vmem>>) offsets(%dma_start3A_27 : memref<800xi32, #tpu.memory_space<vmem>>) semaphore(%arg9 : memref<!tpu.dma_semaphore, #tpu.memory_space<semaphore_mem>>)
      %mul3A_31 = arith.constant 16 : i32
      %mul3A_32 = arith.muli %add3A_17, %mul3A_31 : i32
      %add3A_33 = arith.addi %mul3A_4, %mul3A_32 : i32
      %add3A_34 = arith.constant 0 : i32
      %add3A_35 = arith.addi %add3A_33, %add3A_34 : i32
      "tpu.region"() ({
        %run_scoped3A = tpu.sem_alloc : memref<!tpu.dma_semaphore, #tpu.memory_space<semaphore_mem>>
        %dma_start3A_115 = arith.constant 0 : i32
        %dma_start3A_116 = arith.constant 0 : i32
        %dma_start3A_117 = tpu.memref_slice %arg6[%dma_start3A_115, %dma_start3A_116] : memref<800x64xf32, #tpu.memory_space<vmem>> -> memref<50x64xf32, #tpu.memory_space<vmem>>
        %dma_start3A_118 = arith.constant 0 : i32
        %dma_start3A_119 = arith.constant 0 : i32
        %dma_start3A_120 = tpu.memref_slice %arg4[%add3A_35, %dma_start3A_118, %dma_start3A_119] : memref<16384x50x64xf32, #tpu.memory_space<hbm>> -> memref<1x50x64xf32, #tpu.memory_space<hbm>>
        %dma_start3A_121 = tpu.memref_squeeze %dma_start3A_120 : memref<1x50x64xf32, #tpu.memory_space<hbm>> -> memref<50x64xf32, #tpu.memory_space<hbm>>
        %dma_start3A_122 = arith.constant 0 : i32
        %dma_start3A_123 = arith.constant 0 : i32
        %dma_start3A_124 = tpu.memref_slice %arg4[%add3A_35, %dma_start3A_122, %dma_start3A_123] : memref<16384x50x64xf32, #tpu.memory_space<hbm>> -> memref<1x50x64xf32, #tpu.memory_space<hbm>>
        %dma_start3A_125 = tpu.memref_squeeze %dma_start3A_124 : memref<1x50x64xf32, #tpu.memory_space<hbm>> -> memref<50x64xf32, #tpu.memory_space<hbm>>
        %dma_start3A_126 = arith.constant 0 : i32
        %dma_start3A_127 = arith.constant 0 : i32
        %dma_start3A_128 = tpu.memref_slice %arg6[%dma_start3A_126, %dma_start3A_127] : memref<800x64xf32, #tpu.memory_space<vmem>> -> memref<50x64xf32, #tpu.memory_space<vmem>>
        tpu.enqueue_dma source(%dma_start3A_128 : memref<50x64xf32, #tpu.memory_space<vmem>>) target(%dma_start3A_125 : memref<50x64xf32, #tpu.memory_space<hbm>>) target_semaphore(%run_scoped3A : memref<!tpu.dma_semaphore, #tpu.memory_space<semaphore_mem>>)
        %dma_wait3A_129 = arith.constant 0 : i32
        %dma_wait3A_130 = arith.constant 0 : i32
        %dma_wait3A_131 = tpu.memref_slice %arg6[%dma_wait3A_129, %dma_wait3A_130] : memref<800x64xf32, #tpu.memory_space<vmem>> -> memref<50x64xf32, #tpu.memory_space<vmem>>
        %dma_wait3A_132 = arith.constant 0 : i32
        %dma_wait3A_133 = arith.constant 0 : i32
        %dma_wait3A_134 = tpu.memref_slice %arg4[%add3A_35, %dma_wait3A_132, %dma_wait3A_133] : memref<16384x50x64xf32, #tpu.memory_space<hbm>> -> memref<1x50x64xf32, #tpu.memory_space<hbm>>
        %dma_wait3A_135 = tpu.memref_squeeze %dma_wait3A_134 : memref<1x50x64xf32, #tpu.memory_space<hbm>> -> memref<50x64xf32, #tpu.memory_space<hbm>>
        %dma_wait3A_136 = arith.constant 0 : i32
        %dma_wait3A_137 = arith.constant 0 : i32
        %dma_wait3A_138 = tpu.memref_slice %arg4[%add3A_35, %dma_wait3A_136, %dma_wait3A_137] : memref<16384x50x64xf32, #tpu.memory_space<hbm>> -> memref<1x50x64xf32, #tpu.memory_space<hbm>>
        %dma_wait3A_139 = tpu.memref_squeeze %dma_wait3A_138 : memref<1x50x64xf32, #tpu.memory_space<hbm>> -> memref<50x64xf32, #tpu.memory_space<hbm>>
        %dma_wait3A_140 = arith.constant 0 : i32
        %dma_wait3A_141 = arith.constant 0 : i32
        %dma_wait3A_142 = tpu.memref_slice %arg6[%dma_wait3A_140, %dma_wait3A_141] : memref<800x64xf32, #tpu.memory_space<vmem>> -> memref<50x64xf32, #tpu.memory_space<vmem>>
        tpu.wait_dma2 semaphore(%run_scoped3A : memref<!tpu.dma_semaphore, #tpu.memory_space<semaphore_mem>>) src(%dma_wait3A_142 : memref<50x64xf32, #tpu.memory_space<vmem>>) dst(%dma_wait3A_139 : memref<50x64xf32, #tpu.memory_space<hbm>>)
        tpu.yield
      }) : () -> ()
      %add3A_36 = arith.constant 1 : i32
      %add3A_37 = arith.addi %add3A_33, %add3A_36 : i32
      "tpu.region"() ({
        %run_scoped3A = tpu.sem_alloc : memref<!tpu.dma_semaphore, #tpu.memory_space<semaphore_mem>>
        %dma_start3A_115 = arith.constant 50 : i32
        %dma_start3A_116 = arith.constant 0 : i32
        %dma_start3A_117 = tpu.memref_slice %arg6[%dma_start3A_115, %dma_start3A_116] : memref<800x64xf32, #tpu.memory_space<vmem>> -> memref<50x64xf32, #tpu.memory_space<vmem>>
        %dma_start3A_118 = arith.constant 0 : i32
        %dma_start3A_119 = arith.constant 0 : i32
        %dma_start3A_120 = tpu.memref_slice %arg4[%add3A_37, %dma_start3A_118, %dma_start3A_119] : memref<16384x50x64xf32, #tpu.memory_space<hbm>> -> memref<1x50x64xf32, #tpu.memory_space<hbm>>
        %dma_start3A_121 = tpu.memref_squeeze %dma_start3A_120 : memref<1x50x64xf32, #tpu.memory_space<hbm>> -> memref<50x64xf32, #tpu.memory_space<hbm>>
        %dma_start3A_122 = arith.constant 0 : i32
        %dma_start3A_123 = arith.constant 0 : i32
        %dma_start3A_124 = tpu.memref_slice %arg4[%add3A_37, %dma_start3A_122, %dma_start3A_123] : memref<16384x50x64xf32, #tpu.memory_space<hbm>> -> memref<1x50x64xf32, #tpu.memory_space<hbm>>
        %dma_start3A_125 = tpu.memref_squeeze %dma_start3A_124 : memref<1x50x64xf32, #tpu.memory_space<hbm>> -> memref<50x64xf32, #tpu.memory_space<hbm>>
        %dma_start3A_126 = arith.constant 50 : i32
        %dma_start3A_127 = arith.constant 0 : i32
        %dma_start3A_128 = tpu.memref_slice %arg6[%dma_start3A_126, %dma_start3A_127] : memref<800x64xf32, #tpu.memory_space<vmem>> -> memref<50x64xf32, #tpu.memory_space<vmem>>
        tpu.enqueue_dma source(%dma_start3A_128 : memref<50x64xf32, #tpu.memory_space<vmem>>) target(%dma_start3A_125 : memref<50x64xf32, #tpu.memory_space<hbm>>) target_semaphore(%run_scoped3A : memref<!tpu.dma_semaphore, #tpu.memory_space<semaphore_mem>>)
        %dma_wait3A_129 = arith.constant 50 : i32
        %dma_wait3A_130 = arith.constant 0 : i32
        %dma_wait3A_131 = tpu.memref_slice %arg6[%dma_wait3A_129, %dma_wait3A_130] : memref<800x64xf32, #tpu.memory_space<vmem>> -> memref<50x64xf32, #tpu.memory_space<vmem>>
        %dma_wait3A_132 = arith.constant 0 : i32
        %dma_wait3A_133 = arith.constant 0 : i32
        %dma_wait3A_134 = tpu.memref_slice %arg4[%add3A_37, %dma_wait3A_132, %dma_wait3A_133] : memref<16384x50x64xf32, #tpu.memory_space<hbm>> -> memref<1x50x64xf32, #tpu.memory_space<hbm>>
        %dma_wait3A_135 = tpu.memref_squeeze %dma_wait3A_134 : memref<1x50x64xf32, #tpu.memory_space<hbm>> -> memref<50x64xf32, #tpu.memory_space<hbm>>
        %dma_wait3A_136 = arith.constant 0 : i32
        %dma_wait3A_137 = arith.constant 0 : i32
        %dma_wait3A_138 = tpu.memref_slice %arg4[%add3A_37, %dma_wait3A_136, %dma_wait3A_137] : memref<16384x50x64xf32, #tpu.memory_space<hbm>> -> memref<1x50x64xf32, #tpu.memory_space<hbm>>
        %dma_wait3A_139 = tpu.memref_squeeze %dma_wait3A_138 : memref<1x50x64xf32, #tpu.memory_space<hbm>> -> memref<50x64xf32, #tpu.memory_space<hbm>>
        %dma_wait3A_140 = arith.constant 50 : i32
        %dma_wait3A_141 = arith.constant 0 : i32
        %dma_wait3A_142 = tpu.memref_slice %arg6[%dma_wait3A_140, %dma_wait3A_141] : memref<800x64xf32, #tpu.memory_space<vmem>> -> memref<50x64xf32, #tpu.memory_space<vmem>>
        tpu.wait_dma2 semaphore(%run_scoped3A : memref<!tpu.dma_semaphore, #tpu.memory_space<semaphore_mem>>) src(%dma_wait3A_142 : memref<50x64xf32, #tpu.memory_space<vmem>>) dst(%dma_wait3A_139 : memref<50x64xf32, #tpu.memory_space<hbm>>)
        tpu.yield
      }) : () -> ()
      %add3A_38 = arith.constant 2 : i32
      %add3A_39 = arith.addi %add3A_33, %add3A_38 : i32
      "tpu.region"() ({
        %run_scoped3A = tpu.sem_alloc : memref<!tpu.dma_semaphore, #tpu.memory_space<semaphore_mem>>
        %dma_start3A_115 = arith.constant 100 : i32
        %dma_start3A_116 = arith.constant 0 : i32
        %dma_start3A_117 = tpu.memref_slice %arg6[%dma_start3A_115, %dma_start3A_116] : memref<800x64xf32, #tpu.memory_space<vmem>> -> memref<50x64xf32, #tpu.memory_space<vmem>>
        %dma_start3A_118 = arith.constant 0 : i32
        %dma_start3A_119 = arith.constant 0 : i32
        %dma_start3A_120 = tpu.memref_slice %arg4[%add3A_39, %dma_start3A_118, %dma_start3A_119] : memref<16384x50x64xf32, #tpu.memory_space<hbm>> -> memref<1x50x64xf32, #tpu.memory_space<hbm>>
        %dma_start3A_121 = tpu.memref_squeeze %dma_start3A_120 : memref<1x50x64xf32, #tpu.memory_space<hbm>> -> memref<50x64xf32, #tpu.memory_space<hbm>>
        %dma_start3A_122 = arith.constant 0 : i32
        %dma_start3A_123 = arith.constant 0 : i32
        %dma_start3A_124 = tpu.memref_slice %arg4[%add3A_39, %dma_start3A_122, %dma_start3A_123] : memref<16384x50x64xf32, #tpu.memory_space<hbm>> -> memref<1x50x64xf32, #tpu.memory_space<hbm>>
        %dma_start3A_125 = tpu.memref_squeeze %dma_start3A_124 : memref<1x50x64xf32, #tpu.memory_space<hbm>> -> memref<50x64xf32, #tpu.memory_space<hbm>>
        %dma_start3A_126 = arith.constant 100 : i32
        %dma_start3A_127 = arith.constant 0 : i32
        %dma_start3A_128 = tpu.memref_slice %arg6[%dma_start3A_126, %dma_start3A_127] : memref<800x64xf32, #tpu.memory_space<vmem>> -> memref<50x64xf32, #tpu.memory_space<vmem>>
        tpu.enqueue_dma source(%dma_start3A_128 : memref<50x64xf32, #tpu.memory_space<vmem>>) target(%dma_start3A_125 : memref<50x64xf32, #tpu.memory_space<hbm>>) target_semaphore(%run_scoped3A : memref<!tpu.dma_semaphore, #tpu.memory_space<semaphore_mem>>)
        %dma_wait3A_129 = arith.constant 100 : i32
        %dma_wait3A_130 = arith.constant 0 : i32
        %dma_wait3A_131 = tpu.memref_slice %arg6[%dma_wait3A_129, %dma_wait3A_130] : memref<800x64xf32, #tpu.memory_space<vmem>> -> memref<50x64xf32, #tpu.memory_space<vmem>>
        %dma_wait3A_132 = arith.constant 0 : i32
        %dma_wait3A_133 = arith.constant 0 : i32
        %dma_wait3A_134 = tpu.memref_slice %arg4[%add3A_39, %dma_wait3A_132, %dma_wait3A_133] : memref<16384x50x64xf32, #tpu.memory_space<hbm>> -> memref<1x50x64xf32, #tpu.memory_space<hbm>>
        %dma_wait3A_135 = tpu.memref_squeeze %dma_wait3A_134 : memref<1x50x64xf32, #tpu.memory_space<hbm>> -> memref<50x64xf32, #tpu.memory_space<hbm>>
        %dma_wait3A_136 = arith.constant 0 : i32
        %dma_wait3A_137 = arith.constant 0 : i32
        %dma_wait3A_138 = tpu.memref_slice %arg4[%add3A_39, %dma_wait3A_136, %dma_wait3A_137] : memref<16384x50x64xf32, #tpu.memory_space<hbm>> -> memref<1x50x64xf32, #tpu.memory_space<hbm>>
        %dma_wait3A_139 = tpu.memref_squeeze %dma_wait3A_138 : memref<1x50x64xf32, #tpu.memory_space<hbm>> -> memref<50x64xf32, #tpu.memory_space<hbm>>
        %dma_wait3A_140 = arith.constant 100 : i32
        %dma_wait3A_141 = arith.constant 0 : i32
        %dma_wait3A_142 = tpu.memref_slice %arg6[%dma_wait3A_140, %dma_wait3A_141] : memref<800x64xf32, #tpu.memory_space<vmem>> -> memref<50x64xf32, #tpu.memory_space<vmem>>
        tpu.wait_dma2 semaphore(%run_scoped3A : memref<!tpu.dma_semaphore, #tpu.memory_space<semaphore_mem>>) src(%dma_wait3A_142 : memref<50x64xf32, #tpu.memory_space<vmem>>) dst(%dma_wait3A_139 : memref<50x64xf32, #tpu.memory_space<hbm>>)
        tpu.yield
      }) : () -> ()
      %add3A_40 = arith.constant 3 : i32
      %add3A_41 = arith.addi %add3A_33, %add3A_40 : i32
      "tpu.region"() ({
        %run_scoped3A = tpu.sem_alloc : memref<!tpu.dma_semaphore, #tpu.memory_space<semaphore_mem>>
        %dma_start3A_115 = arith.constant 150 : i32
        %dma_start3A_116 = arith.constant 0 : i32
        %dma_start3A_117 = tpu.memref_slice %arg6[%dma_start3A_115, %dma_start3A_116] : memref<800x64xf32, #tpu.memory_space<vmem>> -> memref<50x64xf32, #tpu.memory_space<vmem>>
        %dma_start3A_118 = arith.constant 0 : i32
        %dma_start3A_119 = arith.constant 0 : i32
        %dma_start3A_120 = tpu.memref_slice %arg4[%add3A_41, %dma_start3A_118, %dma_start3A_119] : memref<16384x50x64xf32, #tpu.memory_space<hbm>> -> memref<1x50x64xf32, #tpu.memory_space<hbm>>
        %dma_start3A_121 = tpu.memref_squeeze %dma_start3A_120 : memref<1x50x64xf32, #tpu.memory_space<hbm>> -> memref<50x64xf32, #tpu.memory_space<hbm>>
        %dma_start3A_122 = arith.constant 0 : i32
        %dma_start3A_123 = arith.constant 0 : i32
        %dma_start3A_124 = tpu.memref_slice %arg4[%add3A_41, %dma_start3A_122, %dma_start3A_123] : memref<16384x50x64xf32, #tpu.memory_space<hbm>> -> memref<1x50x64xf32, #tpu.memory_space<hbm>>
        %dma_start3A_125 = tpu.memref_squeeze %dma_start3A_124 : memref<1x50x64xf32, #tpu.memory_space<hbm>> -> memref<50x64xf32, #tpu.memory_space<hbm>>
        %dma_start3A_126 = arith.constant 150 : i32
        %dma_start3A_127 = arith.constant 0 : i32
        %dma_start3A_128 = tpu.memref_slice %arg6[%dma_start3A_126, %dma_start3A_127] : memref<800x64xf32, #tpu.memory_space<vmem>> -> memref<50x64xf32, #tpu.memory_space<vmem>>
        tpu.enqueue_dma source(%dma_start3A_128 : memref<50x64xf32, #tpu.memory_space<vmem>>) target(%dma_start3A_125 : memref<50x64xf32, #tpu.memory_space<hbm>>) target_semaphore(%run_scoped3A : memref<!tpu.dma_semaphore, #tpu.memory_space<semaphore_mem>>)
        %dma_wait3A_129 = arith.constant 150 : i32
        %dma_wait3A_130 = arith.constant 0 : i32
        %dma_wait3A_131 = tpu.memref_slice %arg6[%dma_wait3A_129, %dma_wait3A_130] : memref<800x64xf32, #tpu.memory_space<vmem>> -> memref<50x64xf32, #tpu.memory_space<vmem>>
        %dma_wait3A_132 = arith.constant 0 : i32
        %dma_wait3A_133 = arith.constant 0 : i32
        %dma_wait3A_134 = tpu.memref_slice %arg4[%add3A_41, %dma_wait3A_132, %dma_wait3A_133] : memref<16384x50x64xf32, #tpu.memory_space<hbm>> -> memref<1x50x64xf32, #tpu.memory_space<hbm>>
        %dma_wait3A_135 = tpu.memref_squeeze %dma_wait3A_134 : memref<1x50x64xf32, #tpu.memory_space<hbm>> -> memref<50x64xf32, #tpu.memory_space<hbm>>
        %dma_wait3A_136 = arith.constant 0 : i32
        %dma_wait3A_137 = arith.constant 0 : i32
        %dma_wait3A_138 = tpu.memref_slice %arg4[%add3A_41, %dma_wait3A_136, %dma_wait3A_137] : memref<16384x50x64xf32, #tpu.memory_space<hbm>> -> memref<1x50x64xf32, #tpu.memory_space<hbm>>
        %dma_wait3A_139 = tpu.memref_squeeze %dma_wait3A_138 : memref<1x50x64xf32, #tpu.memory_space<hbm>> -> memref<50x64xf32, #tpu.memory_space<hbm>>
        %dma_wait3A_140 = arith.constant 150 : i32
        %dma_wait3A_141 = arith.constant 0 : i32
        %dma_wait3A_142 = tpu.memref_slice %arg6[%dma_wait3A_140, %dma_wait3A_141] : memref<800x64xf32, #tpu.memory_space<vmem>> -> memref<50x64xf32, #tpu.memory_space<vmem>>
        tpu.wait_dma2 semaphore(%run_scoped3A : memref<!tpu.dma_semaphore, #tpu.memory_space<semaphore_mem>>) src(%dma_wait3A_142 : memref<50x64xf32, #tpu.memory_space<vmem>>) dst(%dma_wait3A_139 : memref<50x64xf32, #tpu.memory_space<hbm>>)
        tpu.yield
      }) : () -> ()
      %add3A_42 = arith.constant 4 : i32
      %add3A_43 = arith.addi %add3A_33, %add3A_42 : i32
      "tpu.region"() ({
        %run_scoped3A = tpu.sem_alloc : memref<!tpu.dma_semaphore, #tpu.memory_space<semaphore_mem>>
        %dma_start3A_115 = arith.constant 200 : i32
        %dma_start3A_116 = arith.constant 0 : i32
        %dma_start3A_117 = tpu.memref_slice %arg6[%dma_start3A_115, %dma_start3A_116] : memref<800x64xf32, #tpu.memory_space<vmem>> -> memref<50x64xf32, #tpu.memory_space<vmem>>
        %dma_start3A_118 = arith.constant 0 : i32
        %dma_start3A_119 = arith.constant 0 : i32
        %dma_start3A_120 = tpu.memref_slice %arg4[%add3A_43, %dma_start3A_118, %dma_start3A_119] : memref<16384x50x64xf32, #tpu.memory_space<hbm>> -> memref<1x50x64xf32, #tpu.memory_space<hbm>>
        %dma_start3A_121 = tpu.memref_squeeze %dma_start3A_120 : memref<1x50x64xf32, #tpu.memory_space<hbm>> -> memref<50x64xf32, #tpu.memory_space<hbm>>
        %dma_start3A_122 = arith.constant 0 : i32
        %dma_start3A_123 = arith.constant 0 : i32
        %dma_start3A_124 = tpu.memref_slice %arg4[%add3A_43, %dma_start3A_122, %dma_start3A_123] : memref<16384x50x64xf32, #tpu.memory_space<hbm>> -> memref<1x50x64xf32, #tpu.memory_space<hbm>>
        %dma_start3A_125 = tpu.memref_squeeze %dma_start3A_124 : memref<1x50x64xf32, #tpu.memory_space<hbm>> -> memref<50x64xf32, #tpu.memory_space<hbm>>
        %dma_start3A_126 = arith.constant 200 : i32
        %dma_start3A_127 = arith.constant 0 : i32
        %dma_start3A_128 = tpu.memref_slice %arg6[%dma_start3A_126, %dma_start3A_127] : memref<800x64xf32, #tpu.memory_space<vmem>> -> memref<50x64xf32, #tpu.memory_space<vmem>>
        tpu.enqueue_dma source(%dma_start3A_128 : memref<50x64xf32, #tpu.memory_space<vmem>>) target(%dma_start3A_125 : memref<50x64xf32, #tpu.memory_space<hbm>>) target_semaphore(%run_scoped3A : memref<!tpu.dma_semaphore, #tpu.memory_space<semaphore_mem>>)
        %dma_wait3A_129 = arith.constant 200 : i32
        %dma_wait3A_130 = arith.constant 0 : i32
        %dma_wait3A_131 = tpu.memref_slice %arg6[%dma_wait3A_129, %dma_wait3A_130] : memref<800x64xf32, #tpu.memory_space<vmem>> -> memref<50x64xf32, #tpu.memory_space<vmem>>
        %dma_wait3A_132 = arith.constant 0 : i32
        %dma_wait3A_133 = arith.constant 0 : i32
        %dma_wait3A_134 = tpu.memref_slice %arg4[%add3A_43, %dma_wait3A_132, %dma_wait3A_133] : memref<16384x50x64xf32, #tpu.memory_space<hbm>> -> memref<1x50x64xf32, #tpu.memory_space<hbm>>
        %dma_wait3A_135 = tpu.memref_squeeze %dma_wait3A_134 : memref<1x50x64xf32, #tpu.memory_space<hbm>> -> memref<50x64xf32, #tpu.memory_space<hbm>>
        %dma_wait3A_136 = arith.constant 0 : i32
        %dma_wait3A_137 = arith.constant 0 : i32
        %dma_wait3A_138 = tpu.memref_slice %arg4[%add3A_43, %dma_wait3A_136, %dma_wait3A_137] : memref<16384x50x64xf32, #tpu.memory_space<hbm>> -> memref<1x50x64xf32, #tpu.memory_space<hbm>>
        %dma_wait3A_139 = tpu.memref_squeeze %dma_wait3A_138 : memref<1x50x64xf32, #tpu.memory_space<hbm>> -> memref<50x64xf32, #tpu.memory_space<hbm>>
        %dma_wait3A_140 = arith.constant 200 : i32
        %dma_wait3A_141 = arith.constant 0 : i32
        %dma_wait3A_142 = tpu.memref_slice %arg6[%dma_wait3A_140, %dma_wait3A_141] : memref<800x64xf32, #tpu.memory_space<vmem>> -> memref<50x64xf32, #tpu.memory_space<vmem>>
        tpu.wait_dma2 semaphore(%run_scoped3A : memref<!tpu.dma_semaphore, #tpu.memory_space<semaphore_mem>>) src(%dma_wait3A_142 : memref<50x64xf32, #tpu.memory_space<vmem>>) dst(%dma_wait3A_139 : memref<50x64xf32, #tpu.memory_space<hbm>>)
        tpu.yield
      }) : () -> ()
      %add3A_44 = arith.constant 5 : i32
      %add3A_45 = arith.addi %add3A_33, %add3A_44 : i32
      "tpu.region"() ({
        %run_scoped3A = tpu.sem_alloc : memref<!tpu.dma_semaphore, #tpu.memory_space<semaphore_mem>>
        %dma_start3A_115 = arith.constant 250 : i32
        %dma_start3A_116 = arith.constant 0 : i32
        %dma_start3A_117 = tpu.memref_slice %arg6[%dma_start3A_115, %dma_start3A_116] : memref<800x64xf32, #tpu.memory_space<vmem>> -> memref<50x64xf32, #tpu.memory_space<vmem>>
        %dma_start3A_118 = arith.constant 0 : i32
        %dma_start3A_119 = arith.constant 0 : i32
        %dma_start3A_120 = tpu.memref_slice %arg4[%add3A_45, %dma_start3A_118, %dma_start3A_119] : memref<16384x50x64xf32, #tpu.memory_space<hbm>> -> memref<1x50x64xf32, #tpu.memory_space<hbm>>
        %dma_start3A_121 = tpu.memref_squeeze %dma_start3A_120 : memref<1x50x64xf32, #tpu.memory_space<hbm>> -> memref<50x64xf32, #tpu.memory_space<hbm>>
        %dma_start3A_122 = arith.constant 0 : i32
        %dma_start3A_123 = arith.constant 0 : i32
        %dma_start3A_124 = tpu.memref_slice %arg4[%add3A_45, %dma_start3A_122, %dma_start3A_123] : memref<16384x50x64xf32, #tpu.memory_space<hbm>> -> memref<1x50x64xf32, #tpu.memory_space<hbm>>
        %dma_start3A_125 = tpu.memref_squeeze %dma_start3A_124 : memref<1x50x64xf32, #tpu.memory_space<hbm>> -> memref<50x64xf32, #tpu.memory_space<hbm>>
        %dma_start3A_126 = arith.constant 250 : i32
        %dma_start3A_127 = arith.constant 0 : i32
        %dma_start3A_128 = tpu.memref_slice %arg6[%dma_start3A_126, %dma_start3A_127] : memref<800x64xf32, #tpu.memory_space<vmem>> -> memref<50x64xf32, #tpu.memory_space<vmem>>
        tpu.enqueue_dma source(%dma_start3A_128 : memref<50x64xf32, #tpu.memory_space<vmem>>) target(%dma_start3A_125 : memref<50x64xf32, #tpu.memory_space<hbm>>) target_semaphore(%run_scoped3A : memref<!tpu.dma_semaphore, #tpu.memory_space<semaphore_mem>>)
        %dma_wait3A_129 = arith.constant 250 : i32
        %dma_wait3A_130 = arith.constant 0 : i32
        %dma_wait3A_131 = tpu.memref_slice %arg6[%dma_wait3A_129, %dma_wait3A_130] : memref<800x64xf32, #tpu.memory_space<vmem>> -> memref<50x64xf32, #tpu.memory_space<vmem>>
        %dma_wait3A_132 = arith.constant 0 : i32
        %dma_wait3A_133 = arith.constant 0 : i32
        %dma_wait3A_134 = tpu.memref_slice %arg4[%add3A_45, %dma_wait3A_132, %dma_wait3A_133] : memref<16384x50x64xf32, #tpu.memory_space<hbm>> -> memref<1x50x64xf32, #tpu.memory_space<hbm>>
        %dma_wait3A_135 = tpu.memref_squeeze %dma_wait3A_134 : memref<1x50x64xf32, #tpu.memory_space<hbm>> -> memref<50x64xf32, #tpu.memory_space<hbm>>
        %dma_wait3A_136 = arith.constant 0 : i32
        %dma_wait3A_137 = arith.constant 0 : i32
        %dma_wait3A_138 = tpu.memref_slice %arg4[%add3A_45, %dma_wait3A_136, %dma_wait3A_137] : memref<16384x50x64xf32, #tpu.memory_space<hbm>> -> memref<1x50x64xf32, #tpu.memory_space<hbm>>
        %dma_wait3A_139 = tpu.memref_squeeze %dma_wait3A_138 : memref<1x50x64xf32, #tpu.memory_space<hbm>> -> memref<50x64xf32, #tpu.memory_space<hbm>>
        %dma_wait3A_140 = arith.constant 250 : i32
        %dma_wait3A_141 = arith.constant 0 : i32
        %dma_wait3A_142 = tpu.memref_slice %arg6[%dma_wait3A_140, %dma_wait3A_141] : memref<800x64xf32, #tpu.memory_space<vmem>> -> memref<50x64xf32, #tpu.memory_space<vmem>>
        tpu.wait_dma2 semaphore(%run_scoped3A : memref<!tpu.dma_semaphore, #tpu.memory_space<semaphore_mem>>) src(%dma_wait3A_142 : memref<50x64xf32, #tpu.memory_space<vmem>>) dst(%dma_wait3A_139 : memref<50x64xf32, #tpu.memory_space<hbm>>)
        tpu.yield
      }) : () -> ()
      %add3A_46 = arith.constant 6 : i32
      %add3A_47 = arith.addi %add3A_33, %add3A_46 : i32
      "tpu.region"() ({
        %run_scoped3A = tpu.sem_alloc : memref<!tpu.dma_semaphore, #tpu.memory_space<semaphore_mem>>
        %dma_start3A_115 = arith.constant 300 : i32
        %dma_start3A_116 = arith.constant 0 : i32
        %dma_start3A_117 = tpu.memref_slice %arg6[%dma_start3A_115, %dma_start3A_116] : memref<800x64xf32, #tpu.memory_space<vmem>> -> memref<50x64xf32, #tpu.memory_space<vmem>>
        %dma_start3A_118 = arith.constant 0 : i32
        %dma_start3A_119 = arith.constant 0 : i32
        %dma_start3A_120 = tpu.memref_slice %arg4[%add3A_47, %dma_start3A_118, %dma_start3A_119] : memref<16384x50x64xf32, #tpu.memory_space<hbm>> -> memref<1x50x64xf32, #tpu.memory_space<hbm>>
        %dma_start3A_121 = tpu.memref_squeeze %dma_start3A_120 : memref<1x50x64xf32, #tpu.memory_space<hbm>> -> memref<50x64xf32, #tpu.memory_space<hbm>>
        %dma_start3A_122 = arith.constant 0 : i32
        %dma_start3A_123 = arith.constant 0 : i32
        %dma_start3A_124 = tpu.memref_slice %arg4[%add3A_47, %dma_start3A_122, %dma_start3A_123] : memref<16384x50x64xf32, #tpu.memory_space<hbm>> -> memref<1x50x64xf32, #tpu.memory_space<hbm>>
        %dma_start3A_125 = tpu.memref_squeeze %dma_start3A_124 : memref<1x50x64xf32, #tpu.memory_space<hbm>> -> memref<50x64xf32, #tpu.memory_space<hbm>>
        %dma_start3A_126 = arith.constant 300 : i32
        %dma_start3A_127 = arith.constant 0 : i32
        %dma_start3A_128 = tpu.memref_slice %arg6[%dma_start3A_126, %dma_start3A_127] : memref<800x64xf32, #tpu.memory_space<vmem>> -> memref<50x64xf32, #tpu.memory_space<vmem>>
        tpu.enqueue_dma source(%dma_start3A_128 : memref<50x64xf32, #tpu.memory_space<vmem>>) target(%dma_start3A_125 : memref<50x64xf32, #tpu.memory_space<hbm>>) target_semaphore(%run_scoped3A : memref<!tpu.dma_semaphore, #tpu.memory_space<semaphore_mem>>)
        %dma_wait3A_129 = arith.constant 300 : i32
        %dma_wait3A_130 = arith.constant 0 : i32
        %dma_wait3A_131 = tpu.memref_slice %arg6[%dma_wait3A_129, %dma_wait3A_130] : memref<800x64xf32, #tpu.memory_space<vmem>> -> memref<50x64xf32, #tpu.memory_space<vmem>>
        %dma_wait3A_132 = arith.constant 0 : i32
        %dma_wait3A_133 = arith.constant 0 : i32
        %dma_wait3A_134 = tpu.memref_slice %arg4[%add3A_47, %dma_wait3A_132, %dma_wait3A_133] : memref<16384x50x64xf32, #tpu.memory_space<hbm>> -> memref<1x50x64xf32, #tpu.memory_space<hbm>>
        %dma_wait3A_135 = tpu.memref_squeeze %dma_wait3A_134 : memref<1x50x64xf32, #tpu.memory_space<hbm>> -> memref<50x64xf32, #tpu.memory_space<hbm>>
        %dma_wait3A_136 = arith.constant 0 : i32
        %dma_wait3A_137 = arith.constant 0 : i32
        %dma_wait3A_138 = tpu.memref_slice %arg4[%add3A_47, %dma_wait3A_136, %dma_wait3A_137] : memref<16384x50x64xf32, #tpu.memory_space<hbm>> -> memref<1x50x64xf32, #tpu.memory_space<hbm>>
        %dma_wait3A_139 = tpu.memref_squeeze %dma_wait3A_138 : memref<1x50x64xf32, #tpu.memory_space<hbm>> -> memref<50x64xf32, #tpu.memory_space<hbm>>
        %dma_wait3A_140 = arith.constant 300 : i32
        %dma_wait3A_141 = arith.constant 0 : i32
        %dma_wait3A_142 = tpu.memref_slice %arg6[%dma_wait3A_140, %dma_wait3A_141] : memref<800x64xf32, #tpu.memory_space<vmem>> -> memref<50x64xf32, #tpu.memory_space<vmem>>
        tpu.wait_dma2 semaphore(%run_scoped3A : memref<!tpu.dma_semaphore, #tpu.memory_space<semaphore_mem>>) src(%dma_wait3A_142 : memref<50x64xf32, #tpu.memory_space<vmem>>) dst(%dma_wait3A_139 : memref<50x64xf32, #tpu.memory_space<hbm>>)
        tpu.yield
      }) : () -> ()
      %add3A_48 = arith.constant 7 : i32
      %add3A_49 = arith.addi %add3A_33, %add3A_48 : i32
      "tpu.region"() ({
        %run_scoped3A = tpu.sem_alloc : memref<!tpu.dma_semaphore, #tpu.memory_space<semaphore_mem>>
        %dma_start3A_115 = arith.constant 350 : i32
        %dma_start3A_116 = arith.constant 0 : i32
        %dma_start3A_117 = tpu.memref_slice %arg6[%dma_start3A_115, %dma_start3A_116] : memref<800x64xf32, #tpu.memory_space<vmem>> -> memref<50x64xf32, #tpu.memory_space<vmem>>
        %dma_start3A_118 = arith.constant 0 : i32
        %dma_start3A_119 = arith.constant 0 : i32
        %dma_start3A_120 = tpu.memref_slice %arg4[%add3A_49, %dma_start3A_118, %dma_start3A_119] : memref<16384x50x64xf32, #tpu.memory_space<hbm>> -> memref<1x50x64xf32, #tpu.memory_space<hbm>>
        %dma_start3A_121 = tpu.memref_squeeze %dma_start3A_120 : memref<1x50x64xf32, #tpu.memory_space<hbm>> -> memref<50x64xf32, #tpu.memory_space<hbm>>
        %dma_start3A_122 = arith.constant 0 : i32
        %dma_start3A_123 = arith.constant 0 : i32
        %dma_start3A_124 = tpu.memref_slice %arg4[%add3A_49, %dma_start3A_122, %dma_start3A_123] : memref<16384x50x64xf32, #tpu.memory_space<hbm>> -> memref<1x50x64xf32, #tpu.memory_space<hbm>>
        %dma_start3A_125 = tpu.memref_squeeze %dma_start3A_124 : memref<1x50x64xf32, #tpu.memory_space<hbm>> -> memref<50x64xf32, #tpu.memory_space<hbm>>
        %dma_start3A_126 = arith.constant 350 : i32
        %dma_start3A_127 = arith.constant 0 : i32
        %dma_start3A_128 = tpu.memref_slice %arg6[%dma_start3A_126, %dma_start3A_127] : memref<800x64xf32, #tpu.memory_space<vmem>> -> memref<50x64xf32, #tpu.memory_space<vmem>>
        tpu.enqueue_dma source(%dma_start3A_128 : memref<50x64xf32, #tpu.memory_space<vmem>>) target(%dma_start3A_125 : memref<50x64xf32, #tpu.memory_space<hbm>>) target_semaphore(%run_scoped3A : memref<!tpu.dma_semaphore, #tpu.memory_space<semaphore_mem>>)
        %dma_wait3A_129 = arith.constant 350 : i32
        %dma_wait3A_130 = arith.constant 0 : i32
        %dma_wait3A_131 = tpu.memref_slice %arg6[%dma_wait3A_129, %dma_wait3A_130] : memref<800x64xf32, #tpu.memory_space<vmem>> -> memref<50x64xf32, #tpu.memory_space<vmem>>
        %dma_wait3A_132 = arith.constant 0 : i32
        %dma_wait3A_133 = arith.constant 0 : i32
        %dma_wait3A_134 = tpu.memref_slice %arg4[%add3A_49, %dma_wait3A_132, %dma_wait3A_133] : memref<16384x50x64xf32, #tpu.memory_space<hbm>> -> memref<1x50x64xf32, #tpu.memory_space<hbm>>
        %dma_wait3A_135 = tpu.memref_squeeze %dma_wait3A_134 : memref<1x50x64xf32, #tpu.memory_space<hbm>> -> memref<50x64xf32, #tpu.memory_space<hbm>>
        %dma_wait3A_136 = arith.constant 0 : i32
        %dma_wait3A_137 = arith.constant 0 : i32
        %dma_wait3A_138 = tpu.memref_slice %arg4[%add3A_49, %dma_wait3A_136, %dma_wait3A_137] : memref<16384x50x64xf32, #tpu.memory_space<hbm>> -> memref<1x50x64xf32, #tpu.memory_space<hbm>>
        %dma_wait3A_139 = tpu.memref_squeeze %dma_wait3A_138 : memref<1x50x64xf32, #tpu.memory_space<hbm>> -> memref<50x64xf32, #tpu.memory_space<hbm>>
        %dma_wait3A_140 = arith.constant 350 : i32
        %dma_wait3A_141 = arith.constant 0 : i32
        %dma_wait3A_142 = tpu.memref_slice %arg6[%dma_wait3A_140, %dma_wait3A_141] : memref<800x64xf32, #tpu.memory_space<vmem>> -> memref<50x64xf32, #tpu.memory_space<vmem>>
        tpu.wait_dma2 semaphore(%run_scoped3A : memref<!tpu.dma_semaphore, #tpu.memory_space<semaphore_mem>>) src(%dma_wait3A_142 : memref<50x64xf32, #tpu.memory_space<vmem>>) dst(%dma_wait3A_139 : memref<50x64xf32, #tpu.memory_space<hbm>>)
        tpu.yield
      }) : () -> ()
      %add3A_50 = arith.constant 8 : i32
      %add3A_51 = arith.addi %add3A_33, %add3A_50 : i32
      "tpu.region"() ({
        %run_scoped3A = tpu.sem_alloc : memref<!tpu.dma_semaphore, #tpu.memory_space<semaphore_mem>>
        %dma_start3A_115 = arith.constant 400 : i32
        %dma_start3A_116 = arith.constant 0 : i32
        %dma_start3A_117 = tpu.memref_slice %arg6[%dma_start3A_115, %dma_start3A_116] : memref<800x64xf32, #tpu.memory_space<vmem>> -> memref<50x64xf32, #tpu.memory_space<vmem>>
        %dma_start3A_118 = arith.constant 0 : i32
        %dma_start3A_119 = arith.constant 0 : i32
        %dma_start3A_120 = tpu.memref_slice %arg4[%add3A_51, %dma_start3A_118, %dma_start3A_119] : memref<16384x50x64xf32, #tpu.memory_space<hbm>> -> memref<1x50x64xf32, #tpu.memory_space<hbm>>
        %dma_start3A_121 = tpu.memref_squeeze %dma_start3A_120 : memref<1x50x64xf32, #tpu.memory_space<hbm>> -> memref<50x64xf32, #tpu.memory_space<hbm>>
        %dma_start3A_122 = arith.constant 0 : i32
        %dma_start3A_123 = arith.constant 0 : i32
        %dma_start3A_124 = tpu.memref_slice %arg4[%add3A_51, %dma_start3A_122, %dma_start3A_123] : memref<16384x50x64xf32, #tpu.memory_space<hbm>> -> memref<1x50x64xf32, #tpu.memory_space<hbm>>
        %dma_start3A_125 = tpu.memref_squeeze %dma_start3A_124 : memref<1x50x64xf32, #tpu.memory_space<hbm>> -> memref<50x64xf32, #tpu.memory_space<hbm>>
        %dma_start3A_126 = arith.constant 400 : i32
        %dma_start3A_127 = arith.constant 0 : i32
        %dma_start3A_128 = tpu.memref_slice %arg6[%dma_start3A_126, %dma_start3A_127] : memref<800x64xf32, #tpu.memory_space<vmem>> -> memref<50x64xf32, #tpu.memory_space<vmem>>
        tpu.enqueue_dma source(%dma_start3A_128 : memref<50x64xf32, #tpu.memory_space<vmem>>) target(%dma_start3A_125 : memref<50x64xf32, #tpu.memory_space<hbm>>) target_semaphore(%run_scoped3A : memref<!tpu.dma_semaphore, #tpu.memory_space<semaphore_mem>>)
        %dma_wait3A_129 = arith.constant 400 : i32
        %dma_wait3A_130 = arith.constant 0 : i32
        %dma_wait3A_131 = tpu.memref_slice %arg6[%dma_wait3A_129, %dma_wait3A_130] : memref<800x64xf32, #tpu.memory_space<vmem>> -> memref<50x64xf32, #tpu.memory_space<vmem>>
        %dma_wait3A_132 = arith.constant 0 : i32
        %dma_wait3A_133 = arith.constant 0 : i32
        %dma_wait3A_134 = tpu.memref_slice %arg4[%add3A_51, %dma_wait3A_132, %dma_wait3A_133] : memref<16384x50x64xf32, #tpu.memory_space<hbm>> -> memref<1x50x64xf32, #tpu.memory_space<hbm>>
        %dma_wait3A_135 = tpu.memref_squeeze %dma_wait3A_134 : memref<1x50x64xf32, #tpu.memory_space<hbm>> -> memref<50x64xf32, #tpu.memory_space<hbm>>
        %dma_wait3A_136 = arith.constant 0 : i32
        %dma_wait3A_137 = arith.constant 0 : i32
        %dma_wait3A_138 = tpu.memref_slice %arg4[%add3A_51, %dma_wait3A_136, %dma_wait3A_137] : memref<16384x50x64xf32, #tpu.memory_space<hbm>> -> memref<1x50x64xf32, #tpu.memory_space<hbm>>
        %dma_wait3A_139 = tpu.memref_squeeze %dma_wait3A_138 : memref<1x50x64xf32, #tpu.memory_space<hbm>> -> memref<50x64xf32, #tpu.memory_space<hbm>>
        %dma_wait3A_140 = arith.constant 400 : i32
        %dma_wait3A_141 = arith.constant 0 : i32
        %dma_wait3A_142 = tpu.memref_slice %arg6[%dma_wait3A_140, %dma_wait3A_141] : memref<800x64xf32, #tpu.memory_space<vmem>> -> memref<50x64xf32, #tpu.memory_space<vmem>>
        tpu.wait_dma2 semaphore(%run_scoped3A : memref<!tpu.dma_semaphore, #tpu.memory_space<semaphore_mem>>) src(%dma_wait3A_142 : memref<50x64xf32, #tpu.memory_space<vmem>>) dst(%dma_wait3A_139 : memref<50x64xf32, #tpu.memory_space<hbm>>)
        tpu.yield
      }) : () -> ()
      %add3A_52 = arith.constant 9 : i32
      %add3A_53 = arith.addi %add3A_33, %add3A_52 : i32
      "tpu.region"() ({
        %run_scoped3A = tpu.sem_alloc : memref<!tpu.dma_semaphore, #tpu.memory_space<semaphore_mem>>
        %dma_start3A_115 = arith.constant 450 : i32
        %dma_start3A_116 = arith.constant 0 : i32
        %dma_start3A_117 = tpu.memref_slice %arg6[%dma_start3A_115, %dma_start3A_116] : memref<800x64xf32, #tpu.memory_space<vmem>> -> memref<50x64xf32, #tpu.memory_space<vmem>>
        %dma_start3A_118 = arith.constant 0 : i32
        %dma_start3A_119 = arith.constant 0 : i32
        %dma_start3A_120 = tpu.memref_slice %arg4[%add3A_53, %dma_start3A_118, %dma_start3A_119] : memref<16384x50x64xf32, #tpu.memory_space<hbm>> -> memref<1x50x64xf32, #tpu.memory_space<hbm>>
        %dma_start3A_121 = tpu.memref_squeeze %dma_start3A_120 : memref<1x50x64xf32, #tpu.memory_space<hbm>> -> memref<50x64xf32, #tpu.memory_space<hbm>>
        %dma_start3A_122 = arith.constant 0 : i32
        %dma_start3A_123 = arith.constant 0 : i32
        %dma_start3A_124 = tpu.memref_slice %arg4[%add3A_53, %dma_start3A_122, %dma_start3A_123] : memref<16384x50x64xf32, #tpu.memory_space<hbm>> -> memref<1x50x64xf32, #tpu.memory_space<hbm>>
        %dma_start3A_125 = tpu.memref_squeeze %dma_start3A_124 : memref<1x50x64xf32, #tpu.memory_space<hbm>> -> memref<50x64xf32, #tpu.memory_space<hbm>>
        %dma_start3A_126 = arith.constant 450 : i32
        %dma_start3A_127 = arith.constant 0 : i32
        %dma_start3A_128 = tpu.memref_slice %arg6[%dma_start3A_126, %dma_start3A_127] : memref<800x64xf32, #tpu.memory_space<vmem>> -> memref<50x64xf32, #tpu.memory_space<vmem>>
        tpu.enqueue_dma source(%dma_start3A_128 : memref<50x64xf32, #tpu.memory_space<vmem>>) target(%dma_start3A_125 : memref<50x64xf32, #tpu.memory_space<hbm>>) target_semaphore(%run_scoped3A : memref<!tpu.dma_semaphore, #tpu.memory_space<semaphore_mem>>)
        %dma_wait3A_129 = arith.constant 450 : i32
        %dma_wait3A_130 = arith.constant 0 : i32
        %dma_wait3A_131 = tpu.memref_slice %arg6[%dma_wait3A_129, %dma_wait3A_130] : memref<800x64xf32, #tpu.memory_space<vmem>> -> memref<50x64xf32, #tpu.memory_space<vmem>>
        %dma_wait3A_132 = arith.constant 0 : i32
        %dma_wait3A_133 = arith.constant 0 : i32
        %dma_wait3A_134 = tpu.memref_slice %arg4[%add3A_53, %dma_wait3A_132, %dma_wait3A_133] : memref<16384x50x64xf32, #tpu.memory_space<hbm>> -> memref<1x50x64xf32, #tpu.memory_space<hbm>>
        %dma_wait3A_135 = tpu.memref_squeeze %dma_wait3A_134 : memref<1x50x64xf32, #tpu.memory_space<hbm>> -> memref<50x64xf32, #tpu.memory_space<hbm>>
        %dma_wait3A_136 = arith.constant 0 : i32
        %dma_wait3A_137 = arith.constant 0 : i32
        %dma_wait3A_138 = tpu.memref_slice %arg4[%add3A_53, %dma_wait3A_136, %dma_wait3A_137] : memref<16384x50x64xf32, #tpu.memory_space<hbm>> -> memref<1x50x64xf32, #tpu.memory_space<hbm>>
        %dma_wait3A_139 = tpu.memref_squeeze %dma_wait3A_138 : memref<1x50x64xf32, #tpu.memory_space<hbm>> -> memref<50x64xf32, #tpu.memory_space<hbm>>
        %dma_wait3A_140 = arith.constant 450 : i32
        %dma_wait3A_141 = arith.constant 0 : i32
        %dma_wait3A_142 = tpu.memref_slice %arg6[%dma_wait3A_140, %dma_wait3A_141] : memref<800x64xf32, #tpu.memory_space<vmem>> -> memref<50x64xf32, #tpu.memory_space<vmem>>
        tpu.wait_dma2 semaphore(%run_scoped3A : memref<!tpu.dma_semaphore, #tpu.memory_space<semaphore_mem>>) src(%dma_wait3A_142 : memref<50x64xf32, #tpu.memory_space<vmem>>) dst(%dma_wait3A_139 : memref<50x64xf32, #tpu.memory_space<hbm>>)
        tpu.yield
      }) : () -> ()
      %add3A_54 = arith.constant 10 : i32
      %add3A_55 = arith.addi %add3A_33, %add3A_54 : i32
      "tpu.region"() ({
        %run_scoped3A = tpu.sem_alloc : memref<!tpu.dma_semaphore, #tpu.memory_space<semaphore_mem>>
        %dma_start3A_115 = arith.constant 500 : i32
        %dma_start3A_116 = arith.constant 0 : i32
        %dma_start3A_117 = tpu.memref_slice %arg6[%dma_start3A_115, %dma_start3A_116] : memref<800x64xf32, #tpu.memory_space<vmem>> -> memref<50x64xf32, #tpu.memory_space<vmem>>
        %dma_start3A_118 = arith.constant 0 : i32
        %dma_start3A_119 = arith.constant 0 : i32
        %dma_start3A_120 = tpu.memref_slice %arg4[%add3A_55, %dma_start3A_118, %dma_start3A_119] : memref<16384x50x64xf32, #tpu.memory_space<hbm>> -> memref<1x50x64xf32, #tpu.memory_space<hbm>>
        %dma_start3A_121 = tpu.memref_squeeze %dma_start3A_120 : memref<1x50x64xf32, #tpu.memory_space<hbm>> -> memref<50x64xf32, #tpu.memory_space<hbm>>
        %dma_start3A_122 = arith.constant 0 : i32
        %dma_start3A_123 = arith.constant 0 : i32
        %dma_start3A_124 = tpu.memref_slice %arg4[%add3A_55, %dma_start3A_122, %dma_start3A_123] : memref<16384x50x64xf32, #tpu.memory_space<hbm>> -> memref<1x50x64xf32, #tpu.memory_space<hbm>>
        %dma_start3A_125 = tpu.memref_squeeze %dma_start3A_124 : memref<1x50x64xf32, #tpu.memory_space<hbm>> -> memref<50x64xf32, #tpu.memory_space<hbm>>
        %dma_start3A_126 = arith.constant 500 : i32
        %dma_start3A_127 = arith.constant 0 : i32
        %dma_start3A_128 = tpu.memref_slice %arg6[%dma_start3A_126, %dma_start3A_127] : memref<800x64xf32, #tpu.memory_space<vmem>> -> memref<50x64xf32, #tpu.memory_space<vmem>>
        tpu.enqueue_dma source(%dma_start3A_128 : memref<50x64xf32, #tpu.memory_space<vmem>>) target(%dma_start3A_125 : memref<50x64xf32, #tpu.memory_space<hbm>>) target_semaphore(%run_scoped3A : memref<!tpu.dma_semaphore, #tpu.memory_space<semaphore_mem>>)
        %dma_wait3A_129 = arith.constant 500 : i32
        %dma_wait3A_130 = arith.constant 0 : i32
        %dma_wait3A_131 = tpu.memref_slice %arg6[%dma_wait3A_129, %dma_wait3A_130] : memref<800x64xf32, #tpu.memory_space<vmem>> -> memref<50x64xf32, #tpu.memory_space<vmem>>
        %dma_wait3A_132 = arith.constant 0 : i32
        %dma_wait3A_133 = arith.constant 0 : i32
        %dma_wait3A_134 = tpu.memref_slice %arg4[%add3A_55, %dma_wait3A_132, %dma_wait3A_133] : memref<16384x50x64xf32, #tpu.memory_space<hbm>> -> memref<1x50x64xf32, #tpu.memory_space<hbm>>
        %dma_wait3A_135 = tpu.memref_squeeze %dma_wait3A_134 : memref<1x50x64xf32, #tpu.memory_space<hbm>> -> memref<50x64xf32, #tpu.memory_space<hbm>>
        %dma_wait3A_136 = arith.constant 0 : i32
        %dma_wait3A_137 = arith.constant 0 : i32
        %dma_wait3A_138 = tpu.memref_slice %arg4[%add3A_55, %dma_wait3A_136, %dma_wait3A_137] : memref<16384x50x64xf32, #tpu.memory_space<hbm>> -> memref<1x50x64xf32, #tpu.memory_space<hbm>>
        %dma_wait3A_139 = tpu.memref_squeeze %dma_wait3A_138 : memref<1x50x64xf32, #tpu.memory_space<hbm>> -> memref<50x64xf32, #tpu.memory_space<hbm>>
        %dma_wait3A_140 = arith.constant 500 : i32
        %dma_wait3A_141 = arith.constant 0 : i32
        %dma_wait3A_142 = tpu.memref_slice %arg6[%dma_wait3A_140, %dma_wait3A_141] : memref<800x64xf32, #tpu.memory_space<vmem>> -> memref<50x64xf32, #tpu.memory_space<vmem>>
        tpu.wait_dma2 semaphore(%run_scoped3A : memref<!tpu.dma_semaphore, #tpu.memory_space<semaphore_mem>>) src(%dma_wait3A_142 : memref<50x64xf32, #tpu.memory_space<vmem>>) dst(%dma_wait3A_139 : memref<50x64xf32, #tpu.memory_space<hbm>>)
        tpu.yield
      }) : () -> ()
      %add3A_56 = arith.constant 11 : i32
      %add3A_57 = arith.addi %add3A_33, %add3A_56 : i32
      "tpu.region"() ({
        %run_scoped3A = tpu.sem_alloc : memref<!tpu.dma_semaphore, #tpu.memory_space<semaphore_mem>>
        %dma_start3A_115 = arith.constant 550 : i32
        %dma_start3A_116 = arith.constant 0 : i32
        %dma_start3A_117 = tpu.memref_slice %arg6[%dma_start3A_115, %dma_start3A_116] : memref<800x64xf32, #tpu.memory_space<vmem>> -> memref<50x64xf32, #tpu.memory_space<vmem>>
        %dma_start3A_118 = arith.constant 0 : i32
        %dma_start3A_119 = arith.constant 0 : i32
        %dma_start3A_120 = tpu.memref_slice %arg4[%add3A_57, %dma_start3A_118, %dma_start3A_119] : memref<16384x50x64xf32, #tpu.memory_space<hbm>> -> memref<1x50x64xf32, #tpu.memory_space<hbm>>
        %dma_start3A_121 = tpu.memref_squeeze %dma_start3A_120 : memref<1x50x64xf32, #tpu.memory_space<hbm>> -> memref<50x64xf32, #tpu.memory_space<hbm>>
        %dma_start3A_122 = arith.constant 0 : i32
        %dma_start3A_123 = arith.constant 0 : i32
        %dma_start3A_124 = tpu.memref_slice %arg4[%add3A_57, %dma_start3A_122, %dma_start3A_123] : memref<16384x50x64xf32, #tpu.memory_space<hbm>> -> memref<1x50x64xf32, #tpu.memory_space<hbm>>
        %dma_start3A_125 = tpu.memref_squeeze %dma_start3A_124 : memref<1x50x64xf32, #tpu.memory_space<hbm>> -> memref<50x64xf32, #tpu.memory_space<hbm>>
        %dma_start3A_126 = arith.constant 550 : i32
        %dma_start3A_127 = arith.constant 0 : i32
        %dma_start3A_128 = tpu.memref_slice %arg6[%dma_start3A_126, %dma_start3A_127] : memref<800x64xf32, #tpu.memory_space<vmem>> -> memref<50x64xf32, #tpu.memory_space<vmem>>
        tpu.enqueue_dma source(%dma_start3A_128 : memref<50x64xf32, #tpu.memory_space<vmem>>) target(%dma_start3A_125 : memref<50x64xf32, #tpu.memory_space<hbm>>) target_semaphore(%run_scoped3A : memref<!tpu.dma_semaphore, #tpu.memory_space<semaphore_mem>>)
        %dma_wait3A_129 = arith.constant 550 : i32
        %dma_wait3A_130 = arith.constant 0 : i32
        %dma_wait3A_131 = tpu.memref_slice %arg6[%dma_wait3A_129, %dma_wait3A_130] : memref<800x64xf32, #tpu.memory_space<vmem>> -> memref<50x64xf32, #tpu.memory_space<vmem>>
        %dma_wait3A_132 = arith.constant 0 : i32
        %dma_wait3A_133 = arith.constant 0 : i32
        %dma_wait3A_134 = tpu.memref_slice %arg4[%add3A_57, %dma_wait3A_132, %dma_wait3A_133] : memref<16384x50x64xf32, #tpu.memory_space<hbm>> -> memref<1x50x64xf32, #tpu.memory_space<hbm>>
        %dma_wait3A_135 = tpu.memref_squeeze %dma_wait3A_134 : memref<1x50x64xf32, #tpu.memory_space<hbm>> -> memref<50x64xf32, #tpu.memory_space<hbm>>
        %dma_wait3A_136 = arith.constant 0 : i32
        %dma_wait3A_137 = arith.constant 0 : i32
        %dma_wait3A_138 = tpu.memref_slice %arg4[%add3A_57, %dma_wait3A_136, %dma_wait3A_137] : memref<16384x50x64xf32, #tpu.memory_space<hbm>> -> memref<1x50x64xf32, #tpu.memory_space<hbm>>
        %dma_wait3A_139 = tpu.memref_squeeze %dma_wait3A_138 : memref<1x50x64xf32, #tpu.memory_space<hbm>> -> memref<50x64xf32, #tpu.memory_space<hbm>>
        %dma_wait3A_140 = arith.constant 550 : i32
        %dma_wait3A_141 = arith.constant 0 : i32
        %dma_wait3A_142 = tpu.memref_slice %arg6[%dma_wait3A_140, %dma_wait3A_141] : memref<800x64xf32, #tpu.memory_space<vmem>> -> memref<50x64xf32, #tpu.memory_space<vmem>>
        tpu.wait_dma2 semaphore(%run_scoped3A : memref<!tpu.dma_semaphore, #tpu.memory_space<semaphore_mem>>) src(%dma_wait3A_142 : memref<50x64xf32, #tpu.memory_space<vmem>>) dst(%dma_wait3A_139 : memref<50x64xf32, #tpu.memory_space<hbm>>)
        tpu.yield
      }) : () -> ()
      %add3A_58 = arith.constant 12 : i32
      %add3A_59 = arith.addi %add3A_33, %add3A_58 : i32
      "tpu.region"() ({
        %run_scoped3A = tpu.sem_alloc : memref<!tpu.dma_semaphore, #tpu.memory_space<semaphore_mem>>
        %dma_start3A_115 = arith.constant 600 : i32
        %dma_start3A_116 = arith.constant 0 : i32
        %dma_start3A_117 = tpu.memref_slice %arg6[%dma_start3A_115, %dma_start3A_116] : memref<800x64xf32, #tpu.memory_space<vmem>> -> memref<50x64xf32, #tpu.memory_space<vmem>>
        %dma_start3A_118 = arith.constant 0 : i32
        %dma_start3A_119 = arith.constant 0 : i32
        %dma_start3A_120 = tpu.memref_slice %arg4[%add3A_59, %dma_start3A_118, %dma_start3A_119] : memref<16384x50x64xf32, #tpu.memory_space<hbm>> -> memref<1x50x64xf32, #tpu.memory_space<hbm>>
        %dma_start3A_121 = tpu.memref_squeeze %dma_start3A_120 : memref<1x50x64xf32, #tpu.memory_space<hbm>> -> memref<50x64xf32, #tpu.memory_space<hbm>>
        %dma_start3A_122 = arith.constant 0 : i32
        %dma_start3A_123 = arith.constant 0 : i32
        %dma_start3A_124 = tpu.memref_slice %arg4[%add3A_59, %dma_start3A_122, %dma_start3A_123] : memref<16384x50x64xf32, #tpu.memory_space<hbm>> -> memref<1x50x64xf32, #tpu.memory_space<hbm>>
        %dma_start3A_125 = tpu.memref_squeeze %dma_start3A_124 : memref<1x50x64xf32, #tpu.memory_space<hbm>> -> memref<50x64xf32, #tpu.memory_space<hbm>>
        %dma_start3A_126 = arith.constant 600 : i32
        %dma_start3A_127 = arith.constant 0 : i32
        %dma_start3A_128 = tpu.memref_slice %arg6[%dma_start3A_126, %dma_start3A_127] : memref<800x64xf32, #tpu.memory_space<vmem>> -> memref<50x64xf32, #tpu.memory_space<vmem>>
        tpu.enqueue_dma source(%dma_start3A_128 : memref<50x64xf32, #tpu.memory_space<vmem>>) target(%dma_start3A_125 : memref<50x64xf32, #tpu.memory_space<hbm>>) target_semaphore(%run_scoped3A : memref<!tpu.dma_semaphore, #tpu.memory_space<semaphore_mem>>)
        %dma_wait3A_129 = arith.constant 600 : i32
        %dma_wait3A_130 = arith.constant 0 : i32
        %dma_wait3A_131 = tpu.memref_slice %arg6[%dma_wait3A_129, %dma_wait3A_130] : memref<800x64xf32, #tpu.memory_space<vmem>> -> memref<50x64xf32, #tpu.memory_space<vmem>>
        %dma_wait3A_132 = arith.constant 0 : i32
        %dma_wait3A_133 = arith.constant 0 : i32
        %dma_wait3A_134 = tpu.memref_slice %arg4[%add3A_59, %dma_wait3A_132, %dma_wait3A_133] : memref<16384x50x64xf32, #tpu.memory_space<hbm>> -> memref<1x50x64xf32, #tpu.memory_space<hbm>>
        %dma_wait3A_135 = tpu.memref_squeeze %dma_wait3A_134 : memref<1x50x64xf32, #tpu.memory_space<hbm>> -> memref<50x64xf32, #tpu.memory_space<hbm>>
        %dma_wait3A_136 = arith.constant 0 : i32
        %dma_wait3A_137 = arith.constant 0 : i32
        %dma_wait3A_138 = tpu.memref_slice %arg4[%add3A_59, %dma_wait3A_136, %dma_wait3A_137] : memref<16384x50x64xf32, #tpu.memory_space<hbm>> -> memref<1x50x64xf32, #tpu.memory_space<hbm>>
        %dma_wait3A_139 = tpu.memref_squeeze %dma_wait3A_138 : memref<1x50x64xf32, #tpu.memory_space<hbm>> -> memref<50x64xf32, #tpu.memory_space<hbm>>
        %dma_wait3A_140 = arith.constant 600 : i32
        %dma_wait3A_141 = arith.constant 0 : i32
        %dma_wait3A_142 = tpu.memref_slice %arg6[%dma_wait3A_140, %dma_wait3A_141] : memref<800x64xf32, #tpu.memory_space<vmem>> -> memref<50x64xf32, #tpu.memory_space<vmem>>
        tpu.wait_dma2 semaphore(%run_scoped3A : memref<!tpu.dma_semaphore, #tpu.memory_space<semaphore_mem>>) src(%dma_wait3A_142 : memref<50x64xf32, #tpu.memory_space<vmem>>) dst(%dma_wait3A_139 : memref<50x64xf32, #tpu.memory_space<hbm>>)
        tpu.yield
      }) : () -> ()
      %add3A_60 = arith.constant 13 : i32
      %add3A_61 = arith.addi %add3A_33, %add3A_60 : i32
      "tpu.region"() ({
        %run_scoped3A = tpu.sem_alloc : memref<!tpu.dma_semaphore, #tpu.memory_space<semaphore_mem>>
        %dma_start3A_115 = arith.constant 650 : i32
        %dma_start3A_116 = arith.constant 0 : i32
        %dma_start3A_117 = tpu.memref_slice %arg6[%dma_start3A_115, %dma_start3A_116] : memref<800x64xf32, #tpu.memory_space<vmem>> -> memref<50x64xf32, #tpu.memory_space<vmem>>
        %dma_start3A_118 = arith.constant 0 : i32
        %dma_start3A_119 = arith.constant 0 : i32
        %dma_start3A_120 = tpu.memref_slice %arg4[%add3A_61, %dma_start3A_118, %dma_start3A_119] : memref<16384x50x64xf32, #tpu.memory_space<hbm>> -> memref<1x50x64xf32, #tpu.memory_space<hbm>>
        %dma_start3A_121 = tpu.memref_squeeze %dma_start3A_120 : memref<1x50x64xf32, #tpu.memory_space<hbm>> -> memref<50x64xf32, #tpu.memory_space<hbm>>
        %dma_start3A_122 = arith.constant 0 : i32
        %dma_start3A_123 = arith.constant 0 : i32
        %dma_start3A_124 = tpu.memref_slice %arg4[%add3A_61, %dma_start3A_122, %dma_start3A_123] : memref<16384x50x64xf32, #tpu.memory_space<hbm>> -> memref<1x50x64xf32, #tpu.memory_space<hbm>>
        %dma_start3A_125 = tpu.memref_squeeze %dma_start3A_124 : memref<1x50x64xf32, #tpu.memory_space<hbm>> -> memref<50x64xf32, #tpu.memory_space<hbm>>
        %dma_start3A_126 = arith.constant 650 : i32
        %dma_start3A_127 = arith.constant 0 : i32
        %dma_start3A_128 = tpu.memref_slice %arg6[%dma_start3A_126, %dma_start3A_127] : memref<800x64xf32, #tpu.memory_space<vmem>> -> memref<50x64xf32, #tpu.memory_space<vmem>>
        tpu.enqueue_dma source(%dma_start3A_128 : memref<50x64xf32, #tpu.memory_space<vmem>>) target(%dma_start3A_125 : memref<50x64xf32, #tpu.memory_space<hbm>>) target_semaphore(%run_scoped3A : memref<!tpu.dma_semaphore, #tpu.memory_space<semaphore_mem>>)
        %dma_wait3A_129 = arith.constant 650 : i32
        %dma_wait3A_130 = arith.constant 0 : i32
        %dma_wait3A_131 = tpu.memref_slice %arg6[%dma_wait3A_129, %dma_wait3A_130] : memref<800x64xf32, #tpu.memory_space<vmem>> -> memref<50x64xf32, #tpu.memory_space<vmem>>
        %dma_wait3A_132 = arith.constant 0 : i32
        %dma_wait3A_133 = arith.constant 0 : i32
        %dma_wait3A_134 = tpu.memref_slice %arg4[%add3A_61, %dma_wait3A_132, %dma_wait3A_133] : memref<16384x50x64xf32, #tpu.memory_space<hbm>> -> memref<1x50x64xf32, #tpu.memory_space<hbm>>
        %dma_wait3A_135 = tpu.memref_squeeze %dma_wait3A_134 : memref<1x50x64xf32, #tpu.memory_space<hbm>> -> memref<50x64xf32, #tpu.memory_space<hbm>>
        %dma_wait3A_136 = arith.constant 0 : i32
        %dma_wait3A_137 = arith.constant 0 : i32
        %dma_wait3A_138 = tpu.memref_slice %arg4[%add3A_61, %dma_wait3A_136, %dma_wait3A_137] : memref<16384x50x64xf32, #tpu.memory_space<hbm>> -> memref<1x50x64xf32, #tpu.memory_space<hbm>>
        %dma_wait3A_139 = tpu.memref_squeeze %dma_wait3A_138 : memref<1x50x64xf32, #tpu.memory_space<hbm>> -> memref<50x64xf32, #tpu.memory_space<hbm>>
        %dma_wait3A_140 = arith.constant 650 : i32
        %dma_wait3A_141 = arith.constant 0 : i32
        %dma_wait3A_142 = tpu.memref_slice %arg6[%dma_wait3A_140, %dma_wait3A_141] : memref<800x64xf32, #tpu.memory_space<vmem>> -> memref<50x64xf32, #tpu.memory_space<vmem>>
        tpu.wait_dma2 semaphore(%run_scoped3A : memref<!tpu.dma_semaphore, #tpu.memory_space<semaphore_mem>>) src(%dma_wait3A_142 : memref<50x64xf32, #tpu.memory_space<vmem>>) dst(%dma_wait3A_139 : memref<50x64xf32, #tpu.memory_space<hbm>>)
        tpu.yield
      }) : () -> ()
      %add3A_62 = arith.constant 14 : i32
      %add3A_63 = arith.addi %add3A_33, %add3A_62 : i32
      "tpu.region"() ({
        %run_scoped3A = tpu.sem_alloc : memref<!tpu.dma_semaphore, #tpu.memory_space<semaphore_mem>>
        %dma_start3A_115 = arith.constant 700 : i32
        %dma_start3A_116 = arith.constant 0 : i32
        %dma_start3A_117 = tpu.memref_slice %arg6[%dma_start3A_115, %dma_start3A_116] : memref<800x64xf32, #tpu.memory_space<vmem>> -> memref<50x64xf32, #tpu.memory_space<vmem>>
        %dma_start3A_118 = arith.constant 0 : i32
        %dma_start3A_119 = arith.constant 0 : i32
        %dma_start3A_120 = tpu.memref_slice %arg4[%add3A_63, %dma_start3A_118, %dma_start3A_119] : memref<16384x50x64xf32, #tpu.memory_space<hbm>> -> memref<1x50x64xf32, #tpu.memory_space<hbm>>
        %dma_start3A_121 = tpu.memref_squeeze %dma_start3A_120 : memref<1x50x64xf32, #tpu.memory_space<hbm>> -> memref<50x64xf32, #tpu.memory_space<hbm>>
        %dma_start3A_122 = arith.constant 0 : i32
        %dma_start3A_123 = arith.constant 0 : i32
        %dma_start3A_124 = tpu.memref_slice %arg4[%add3A_63, %dma_start3A_122, %dma_start3A_123] : memref<16384x50x64xf32, #tpu.memory_space<hbm>> -> memref<1x50x64xf32, #tpu.memory_space<hbm>>
        %dma_start3A_125 = tpu.memref_squeeze %dma_start3A_124 : memref<1x50x64xf32, #tpu.memory_space<hbm>> -> memref<50x64xf32, #tpu.memory_space<hbm>>
        %dma_start3A_126 = arith.constant 700 : i32
        %dma_start3A_127 = arith.constant 0 : i32
        %dma_start3A_128 = tpu.memref_slice %arg6[%dma_start3A_126, %dma_start3A_127] : memref<800x64xf32, #tpu.memory_space<vmem>> -> memref<50x64xf32, #tpu.memory_space<vmem>>
        tpu.enqueue_dma source(%dma_start3A_128 : memref<50x64xf32, #tpu.memory_space<vmem>>) target(%dma_start3A_125 : memref<50x64xf32, #tpu.memory_space<hbm>>) target_semaphore(%run_scoped3A : memref<!tpu.dma_semaphore, #tpu.memory_space<semaphore_mem>>)
        %dma_wait3A_129 = arith.constant 700 : i32
        %dma_wait3A_130 = arith.constant 0 : i32
        %dma_wait3A_131 = tpu.memref_slice %arg6[%dma_wait3A_129, %dma_wait3A_130] : memref<800x64xf32, #tpu.memory_space<vmem>> -> memref<50x64xf32, #tpu.memory_space<vmem>>
        %dma_wait3A_132 = arith.constant 0 : i32
        %dma_wait3A_133 = arith.constant 0 : i32
        %dma_wait3A_134 = tpu.memref_slice %arg4[%add3A_63, %dma_wait3A_132, %dma_wait3A_133] : memref<16384x50x64xf32, #tpu.memory_space<hbm>> -> memref<1x50x64xf32, #tpu.memory_space<hbm>>
        %dma_wait3A_135 = tpu.memref_squeeze %dma_wait3A_134 : memref<1x50x64xf32, #tpu.memory_space<hbm>> -> memref<50x64xf32, #tpu.memory_space<hbm>>
        %dma_wait3A_136 = arith.constant 0 : i32
        %dma_wait3A_137 = arith.constant 0 : i32
        %dma_wait3A_138 = tpu.memref_slice %arg4[%add3A_63, %dma_wait3A_136, %dma_wait3A_137] : memref<16384x50x64xf32, #tpu.memory_space<hbm>> -> memref<1x50x64xf32, #tpu.memory_space<hbm>>
        %dma_wait3A_139 = tpu.memref_squeeze %dma_wait3A_138 : memref<1x50x64xf32, #tpu.memory_space<hbm>> -> memref<50x64xf32, #tpu.memory_space<hbm>>
        %dma_wait3A_140 = arith.constant 700 : i32
        %dma_wait3A_141 = arith.constant 0 : i32
        %dma_wait3A_142 = tpu.memref_slice %arg6[%dma_wait3A_140, %dma_wait3A_141] : memref<800x64xf32, #tpu.memory_space<vmem>> -> memref<50x64xf32, #tpu.memory_space<vmem>>
        tpu.wait_dma2 semaphore(%run_scoped3A : memref<!tpu.dma_semaphore, #tpu.memory_space<semaphore_mem>>) src(%dma_wait3A_142 : memref<50x64xf32, #tpu.memory_space<vmem>>) dst(%dma_wait3A_139 : memref<50x64xf32, #tpu.memory_space<hbm>>)
        tpu.yield
      }) : () -> ()
      %add3A_64 = arith.constant 15 : i32
      %add3A_65 = arith.addi %add3A_33, %add3A_64 : i32
      "tpu.region"() ({
        %run_scoped3A = tpu.sem_alloc : memref<!tpu.dma_semaphore, #tpu.memory_space<semaphore_mem>>
        %dma_start3A_115 = arith.constant 750 : i32
        %dma_start3A_116 = arith.constant 0 : i32
        %dma_start3A_117 = tpu.memref_slice %arg6[%dma_start3A_115, %dma_start3A_116] : memref<800x64xf32, #tpu.memory_space<vmem>> -> memref<50x64xf32, #tpu.memory_space<vmem>>
        %dma_start3A_118 = arith.constant 0 : i32
        %dma_start3A_119 = arith.constant 0 : i32
        %dma_start3A_120 = tpu.memref_slice %arg4[%add3A_65, %dma_start3A_118, %dma_start3A_119] : memref<16384x50x64xf32, #tpu.memory_space<hbm>> -> memref<1x50x64xf32, #tpu.memory_space<hbm>>
        %dma_start3A_121 = tpu.memref_squeeze %dma_start3A_120 : memref<1x50x64xf32, #tpu.memory_space<hbm>> -> memref<50x64xf32, #tpu.memory_space<hbm>>
        %dma_start3A_122 = arith.constant 0 : i32
        %dma_start3A_123 = arith.constant 0 : i32
        %dma_start3A_124 = tpu.memref_slice %arg4[%add3A_65, %dma_start3A_122, %dma_start3A_123] : memref<16384x50x64xf32, #tpu.memory_space<hbm>> -> memref<1x50x64xf32, #tpu.memory_space<hbm>>
        %dma_start3A_125 = tpu.memref_squeeze %dma_start3A_124 : memref<1x50x64xf32, #tpu.memory_space<hbm>> -> memref<50x64xf32, #tpu.memory_space<hbm>>
        %dma_start3A_126 = arith.constant 750 : i32
        %dma_start3A_127 = arith.constant 0 : i32
        %dma_start3A_128 = tpu.memref_slice %arg6[%dma_start3A_126, %dma_start3A_127] : memref<800x64xf32, #tpu.memory_space<vmem>> -> memref<50x64xf32, #tpu.memory_space<vmem>>
        tpu.enqueue_dma source(%dma_start3A_128 : memref<50x64xf32, #tpu.memory_space<vmem>>) target(%dma_start3A_125 : memref<50x64xf32, #tpu.memory_space<hbm>>) target_semaphore(%run_scoped3A : memref<!tpu.dma_semaphore, #tpu.memory_space<semaphore_mem>>)
        %dma_wait3A_129 = arith.constant 750 : i32
        %dma_wait3A_130 = arith.constant 0 : i32
        %dma_wait3A_131 = tpu.memref_slice %arg6[%dma_wait3A_129, %dma_wait3A_130] : memref<800x64xf32, #tpu.memory_space<vmem>> -> memref<50x64xf32, #tpu.memory_space<vmem>>
        %dma_wait3A_132 = arith.constant 0 : i32
        %dma_wait3A_133 = arith.constant 0 : i32
        %dma_wait3A_134 = tpu.memref_slice %arg4[%add3A_65, %dma_wait3A_132, %dma_wait3A_133] : memref<16384x50x64xf32, #tpu.memory_space<hbm>> -> memref<1x50x64xf32, #tpu.memory_space<hbm>>
        %dma_wait3A_135 = tpu.memref_squeeze %dma_wait3A_134 : memref<1x50x64xf32, #tpu.memory_space<hbm>> -> memref<50x64xf32, #tpu.memory_space<hbm>>
        %dma_wait3A_136 = arith.constant 0 : i32
        %dma_wait3A_137 = arith.constant 0 : i32
        %dma_wait3A_138 = tpu.memref_slice %arg4[%add3A_65, %dma_wait3A_136, %dma_wait3A_137] : memref<16384x50x64xf32, #tpu.memory_space<hbm>> -> memref<1x50x64xf32, #tpu.memory_space<hbm>>
        %dma_wait3A_139 = tpu.memref_squeeze %dma_wait3A_138 : memref<1x50x64xf32, #tpu.memory_space<hbm>> -> memref<50x64xf32, #tpu.memory_space<hbm>>
        %dma_wait3A_140 = arith.constant 750 : i32
        %dma_wait3A_141 = arith.constant 0 : i32
        %dma_wait3A_142 = tpu.memref_slice %arg6[%dma_wait3A_140, %dma_wait3A_141] : memref<800x64xf32, #tpu.memory_space<vmem>> -> memref<50x64xf32, #tpu.memory_space<vmem>>
        tpu.wait_dma2 semaphore(%run_scoped3A : memref<!tpu.dma_semaphore, #tpu.memory_space<semaphore_mem>>) src(%dma_wait3A_142 : memref<50x64xf32, #tpu.memory_space<vmem>>) dst(%dma_wait3A_139 : memref<50x64xf32, #tpu.memory_space<hbm>>)
        tpu.yield
      }) : () -> ()
      %add3A_66 = arith.constant 1 : i32
      %add3A_67 = arith.addi %add3A_17, %add3A_66 : i32
      %mul3A_68 = arith.constant 800 : i32
      %mul3A_69 = arith.muli %add3A_67, %mul3A_68 : i32
      %dma_wait3A_70 = tpu.memref_slice %arg5[%mul3A_69] : memref<25600xi32, #tpu.memory_space<vmem>> -> memref<800xi32, #tpu.memory_space<vmem>>
      %dma_wait3A_71 = arith.constant 0 : i32
      %dma_wait3A_72 = arith.constant 0 : i32
      %dma_wait3A_73 = tpu.memref_slice %arg2[%dma_wait3A_71, %dma_wait3A_72] : memref<1000000x64xf32, #tpu.memory_space<hbm>> -> memref<1000000x64xf32, #tpu.memory_space<hbm>>
      tpu.wait_indirect_dma semaphore(%arg9 : memref<!tpu.dma_semaphore, #tpu.memory_space<semaphore_mem>>) src(%dma_wait3A_73 : memref<1000000x64xf32, #tpu.memory_space<hbm>>) dst(%arg7 : memref<800x64xf32, #tpu.memory_space<vmem>>)
      %add3A_74 = arith.constant 2 : i32
      %add3A_75 = arith.addi %add3A_17, %add3A_74 : i32
      %lt3A = arith.constant 32 : i32
      %lt3A_76 = arith.cmpi slt, %add3A_75, %lt3A : i32
      %convert_element_type3A = arith.extui %lt3A_76 : i1 to i32
      %cond3A = arith.constant 0 : i32
      %cond3A_77 = arith.cmpi ne, %convert_element_type3A, %cond3A : i32
      scf.if %cond3A_77 {
        %add3A_115 = arith.constant 2 : i32
        %add3A_116 = arith.addi %add3A_17, %add3A_115 : i32
        %mul3A_117 = arith.constant 800 : i32
        %mul3A_118 = arith.muli %add3A_116, %mul3A_117 : i32
        %dma_start3A_119 = tpu.memref_slice %arg5[%mul3A_118] : memref<25600xi32, #tpu.memory_space<vmem>> -> memref<800xi32, #tpu.memory_space<vmem>>
        %dma_start3A_120 = arith.constant 0 : i32
        %dma_start3A_121 = arith.constant 0 : i32
        %dma_start3A_122 = tpu.memref_slice %arg2[%dma_start3A_120, %dma_start3A_121] : memref<1000000x64xf32, #tpu.memory_space<hbm>> -> memref<1000000x64xf32, #tpu.memory_space<hbm>>
        tpu.enqueue_indirect_dma source(%dma_start3A_122 : memref<1000000x64xf32, #tpu.memory_space<hbm>>) target(%arg6 : memref<800x64xf32, #tpu.memory_space<vmem>>) offsets(%dma_start3A_119 : memref<800xi32, #tpu.memory_space<vmem>>) semaphore(%arg8 : memref<!tpu.dma_semaphore, #tpu.memory_space<semaphore_mem>>)
      } else {
      }
      %add3A_78 = arith.constant 1 : i32
      %add3A_79 = arith.addi %add3A_17, %add3A_78 : i32
      %mul3A_80 = arith.constant 16 : i32
      %mul3A_81 = arith.muli %add3A_79, %mul3A_80 : i32
      %add3A_82 = arith.addi %mul3A_4, %mul3A_81 : i32
      %add3A_83 = arith.constant 0 : i32
      %add3A_84 = arith.addi %add3A_82, %add3A_83 : i32
      "tpu.region"() ({
        %run_scoped3A = tpu.sem_alloc : memref<!tpu.dma_semaphore, #tpu.memory_space<semaphore_mem>>
        %dma_start3A_115 = arith.constant 0 : i32
        %dma_start3A_116 = arith.constant 0 : i32
        %dma_start3A_117 = tpu.memref_slice %arg7[%dma_start3A_115, %dma_start3A_116] : memref<800x64xf32, #tpu.memory_space<vmem>> -> memref<50x64xf32, #tpu.memory_space<vmem>>
        %dma_start3A_118 = arith.constant 0 : i32
        %dma_start3A_119 = arith.constant 0 : i32
        %dma_start3A_120 = tpu.memref_slice %arg4[%add3A_84, %dma_start3A_118, %dma_start3A_119] : memref<16384x50x64xf32, #tpu.memory_space<hbm>> -> memref<1x50x64xf32, #tpu.memory_space<hbm>>
        %dma_start3A_121 = tpu.memref_squeeze %dma_start3A_120 : memref<1x50x64xf32, #tpu.memory_space<hbm>> -> memref<50x64xf32, #tpu.memory_space<hbm>>
        %dma_start3A_122 = arith.constant 0 : i32
        %dma_start3A_123 = arith.constant 0 : i32
        %dma_start3A_124 = tpu.memref_slice %arg4[%add3A_84, %dma_start3A_122, %dma_start3A_123] : memref<16384x50x64xf32, #tpu.memory_space<hbm>> -> memref<1x50x64xf32, #tpu.memory_space<hbm>>
        %dma_start3A_125 = tpu.memref_squeeze %dma_start3A_124 : memref<1x50x64xf32, #tpu.memory_space<hbm>> -> memref<50x64xf32, #tpu.memory_space<hbm>>
        %dma_start3A_126 = arith.constant 0 : i32
        %dma_start3A_127 = arith.constant 0 : i32
        %dma_start3A_128 = tpu.memref_slice %arg7[%dma_start3A_126, %dma_start3A_127] : memref<800x64xf32, #tpu.memory_space<vmem>> -> memref<50x64xf32, #tpu.memory_space<vmem>>
        tpu.enqueue_dma source(%dma_start3A_128 : memref<50x64xf32, #tpu.memory_space<vmem>>) target(%dma_start3A_125 : memref<50x64xf32, #tpu.memory_space<hbm>>) target_semaphore(%run_scoped3A : memref<!tpu.dma_semaphore, #tpu.memory_space<semaphore_mem>>)
        %dma_wait3A_129 = arith.constant 0 : i32
        %dma_wait3A_130 = arith.constant 0 : i32
        %dma_wait3A_131 = tpu.memref_slice %arg7[%dma_wait3A_129, %dma_wait3A_130] : memref<800x64xf32, #tpu.memory_space<vmem>> -> memref<50x64xf32, #tpu.memory_space<vmem>>
        %dma_wait3A_132 = arith.constant 0 : i32
        %dma_wait3A_133 = arith.constant 0 : i32
        %dma_wait3A_134 = tpu.memref_slice %arg4[%add3A_84, %dma_wait3A_132, %dma_wait3A_133] : memref<16384x50x64xf32, #tpu.memory_space<hbm>> -> memref<1x50x64xf32, #tpu.memory_space<hbm>>
        %dma_wait3A_135 = tpu.memref_squeeze %dma_wait3A_134 : memref<1x50x64xf32, #tpu.memory_space<hbm>> -> memref<50x64xf32, #tpu.memory_space<hbm>>
        %dma_wait3A_136 = arith.constant 0 : i32
        %dma_wait3A_137 = arith.constant 0 : i32
        %dma_wait3A_138 = tpu.memref_slice %arg4[%add3A_84, %dma_wait3A_136, %dma_wait3A_137] : memref<16384x50x64xf32, #tpu.memory_space<hbm>> -> memref<1x50x64xf32, #tpu.memory_space<hbm>>
        %dma_wait3A_139 = tpu.memref_squeeze %dma_wait3A_138 : memref<1x50x64xf32, #tpu.memory_space<hbm>> -> memref<50x64xf32, #tpu.memory_space<hbm>>
        %dma_wait3A_140 = arith.constant 0 : i32
        %dma_wait3A_141 = arith.constant 0 : i32
        %dma_wait3A_142 = tpu.memref_slice %arg7[%dma_wait3A_140, %dma_wait3A_141] : memref<800x64xf32, #tpu.memory_space<vmem>> -> memref<50x64xf32, #tpu.memory_space<vmem>>
        tpu.wait_dma2 semaphore(%run_scoped3A : memref<!tpu.dma_semaphore, #tpu.memory_space<semaphore_mem>>) src(%dma_wait3A_142 : memref<50x64xf32, #tpu.memory_space<vmem>>) dst(%dma_wait3A_139 : memref<50x64xf32, #tpu.memory_space<hbm>>)
        tpu.yield
      }) : () -> ()
      %add3A_85 = arith.constant 1 : i32
      %add3A_86 = arith.addi %add3A_82, %add3A_85 : i32
      "tpu.region"() ({
        %run_scoped3A = tpu.sem_alloc : memref<!tpu.dma_semaphore, #tpu.memory_space<semaphore_mem>>
        %dma_start3A_115 = arith.constant 50 : i32
        %dma_start3A_116 = arith.constant 0 : i32
        %dma_start3A_117 = tpu.memref_slice %arg7[%dma_start3A_115, %dma_start3A_116] : memref<800x64xf32, #tpu.memory_space<vmem>> -> memref<50x64xf32, #tpu.memory_space<vmem>>
        %dma_start3A_118 = arith.constant 0 : i32
        %dma_start3A_119 = arith.constant 0 : i32
        %dma_start3A_120 = tpu.memref_slice %arg4[%add3A_86, %dma_start3A_118, %dma_start3A_119] : memref<16384x50x64xf32, #tpu.memory_space<hbm>> -> memref<1x50x64xf32, #tpu.memory_space<hbm>>
        %dma_start3A_121 = tpu.memref_squeeze %dma_start3A_120 : memref<1x50x64xf32, #tpu.memory_space<hbm>> -> memref<50x64xf32, #tpu.memory_space<hbm>>
        %dma_start3A_122 = arith.constant 0 : i32
        %dma_start3A_123 = arith.constant 0 : i32
        %dma_start3A_124 = tpu.memref_slice %arg4[%add3A_86, %dma_start3A_122, %dma_start3A_123] : memref<16384x50x64xf32, #tpu.memory_space<hbm>> -> memref<1x50x64xf32, #tpu.memory_space<hbm>>
        %dma_start3A_125 = tpu.memref_squeeze %dma_start3A_124 : memref<1x50x64xf32, #tpu.memory_space<hbm>> -> memref<50x64xf32, #tpu.memory_space<hbm>>
        %dma_start3A_126 = arith.constant 50 : i32
        %dma_start3A_127 = arith.constant 0 : i32
        %dma_start3A_128 = tpu.memref_slice %arg7[%dma_start3A_126, %dma_start3A_127] : memref<800x64xf32, #tpu.memory_space<vmem>> -> memref<50x64xf32, #tpu.memory_space<vmem>>
        tpu.enqueue_dma source(%dma_start3A_128 : memref<50x64xf32, #tpu.memory_space<vmem>>) target(%dma_start3A_125 : memref<50x64xf32, #tpu.memory_space<hbm>>) target_semaphore(%run_scoped3A : memref<!tpu.dma_semaphore, #tpu.memory_space<semaphore_mem>>)
        %dma_wait3A_129 = arith.constant 50 : i32
        %dma_wait3A_130 = arith.constant 0 : i32
        %dma_wait3A_131 = tpu.memref_slice %arg7[%dma_wait3A_129, %dma_wait3A_130] : memref<800x64xf32, #tpu.memory_space<vmem>> -> memref<50x64xf32, #tpu.memory_space<vmem>>
        %dma_wait3A_132 = arith.constant 0 : i32
        %dma_wait3A_133 = arith.constant 0 : i32
        %dma_wait3A_134 = tpu.memref_slice %arg4[%add3A_86, %dma_wait3A_132, %dma_wait3A_133] : memref<16384x50x64xf32, #tpu.memory_space<hbm>> -> memref<1x50x64xf32, #tpu.memory_space<hbm>>
        %dma_wait3A_135 = tpu.memref_squeeze %dma_wait3A_134 : memref<1x50x64xf32, #tpu.memory_space<hbm>> -> memref<50x64xf32, #tpu.memory_space<hbm>>
        %dma_wait3A_136 = arith.constant 0 : i32
        %dma_wait3A_137 = arith.constant 0 : i32
        %dma_wait3A_138 = tpu.memref_slice %arg4[%add3A_86, %dma_wait3A_136, %dma_wait3A_137] : memref<16384x50x64xf32, #tpu.memory_space<hbm>> -> memref<1x50x64xf32, #tpu.memory_space<hbm>>
        %dma_wait3A_139 = tpu.memref_squeeze %dma_wait3A_138 : memref<1x50x64xf32, #tpu.memory_space<hbm>> -> memref<50x64xf32, #tpu.memory_space<hbm>>
        %dma_wait3A_140 = arith.constant 50 : i32
        %dma_wait3A_141 = arith.constant 0 : i32
        %dma_wait3A_142 = tpu.memref_slice %arg7[%dma_wait3A_140, %dma_wait3A_141] : memref<800x64xf32, #tpu.memory_space<vmem>> -> memref<50x64xf32, #tpu.memory_space<vmem>>
        tpu.wait_dma2 semaphore(%run_scoped3A : memref<!tpu.dma_semaphore, #tpu.memory_space<semaphore_mem>>) src(%dma_wait3A_142 : memref<50x64xf32, #tpu.memory_space<vmem>>) dst(%dma_wait3A_139 : memref<50x64xf32, #tpu.memory_space<hbm>>)
        tpu.yield
      }) : () -> ()
      %add3A_87 = arith.constant 2 : i32
      %add3A_88 = arith.addi %add3A_82, %add3A_87 : i32
      "tpu.region"() ({
        %run_scoped3A = tpu.sem_alloc : memref<!tpu.dma_semaphore, #tpu.memory_space<semaphore_mem>>
        %dma_start3A_115 = arith.constant 100 : i32
        %dma_start3A_116 = arith.constant 0 : i32
        %dma_start3A_117 = tpu.memref_slice %arg7[%dma_start3A_115, %dma_start3A_116] : memref<800x64xf32, #tpu.memory_space<vmem>> -> memref<50x64xf32, #tpu.memory_space<vmem>>
        %dma_start3A_118 = arith.constant 0 : i32
        %dma_start3A_119 = arith.constant 0 : i32
        %dma_start3A_120 = tpu.memref_slice %arg4[%add3A_88, %dma_start3A_118, %dma_start3A_119] : memref<16384x50x64xf32, #tpu.memory_space<hbm>> -> memref<1x50x64xf32, #tpu.memory_space<hbm>>
        %dma_start3A_121 = tpu.memref_squeeze %dma_start3A_120 : memref<1x50x64xf32, #tpu.memory_space<hbm>> -> memref<50x64xf32, #tpu.memory_space<hbm>>
        %dma_start3A_122 = arith.constant 0 : i32
        %dma_start3A_123 = arith.constant 0 : i32
        %dma_start3A_124 = tpu.memref_slice %arg4[%add3A_88, %dma_start3A_122, %dma_start3A_123] : memref<16384x50x64xf32, #tpu.memory_space<hbm>> -> memref<1x50x64xf32, #tpu.memory_space<hbm>>
        %dma_start3A_125 = tpu.memref_squeeze %dma_start3A_124 : memref<1x50x64xf32, #tpu.memory_space<hbm>> -> memref<50x64xf32, #tpu.memory_space<hbm>>
        %dma_start3A_126 = arith.constant 100 : i32
        %dma_start3A_127 = arith.constant 0 : i32
        %dma_start3A_128 = tpu.memref_slice %arg7[%dma_start3A_126, %dma_start3A_127] : memref<800x64xf32, #tpu.memory_space<vmem>> -> memref<50x64xf32, #tpu.memory_space<vmem>>
        tpu.enqueue_dma source(%dma_start3A_128 : memref<50x64xf32, #tpu.memory_space<vmem>>) target(%dma_start3A_125 : memref<50x64xf32, #tpu.memory_space<hbm>>) target_semaphore(%run_scoped3A : memref<!tpu.dma_semaphore, #tpu.memory_space<semaphore_mem>>)
        %dma_wait3A_129 = arith.constant 100 : i32
        %dma_wait3A_130 = arith.constant 0 : i32
        %dma_wait3A_131 = tpu.memref_slice %arg7[%dma_wait3A_129, %dma_wait3A_130] : memref<800x64xf32, #tpu.memory_space<vmem>> -> memref<50x64xf32, #tpu.memory_space<vmem>>
        %dma_wait3A_132 = arith.constant 0 : i32
        %dma_wait3A_133 = arith.constant 0 : i32
        %dma_wait3A_134 = tpu.memref_slice %arg4[%add3A_88, %dma_wait3A_132, %dma_wait3A_133] : memref<16384x50x64xf32, #tpu.memory_space<hbm>> -> memref<1x50x64xf32, #tpu.memory_space<hbm>>
        %dma_wait3A_135 = tpu.memref_squeeze %dma_wait3A_134 : memref<1x50x64xf32, #tpu.memory_space<hbm>> -> memref<50x64xf32, #tpu.memory_space<hbm>>
        %dma_wait3A_136 = arith.constant 0 : i32
        %dma_wait3A_137 = arith.constant 0 : i32
        %dma_wait3A_138 = tpu.memref_slice %arg4[%add3A_88, %dma_wait3A_136, %dma_wait3A_137] : memref<16384x50x64xf32, #tpu.memory_space<hbm>> -> memref<1x50x64xf32, #tpu.memory_space<hbm>>
        %dma_wait3A_139 = tpu.memref_squeeze %dma_wait3A_138 : memref<1x50x64xf32, #tpu.memory_space<hbm>> -> memref<50x64xf32, #tpu.memory_space<hbm>>
        %dma_wait3A_140 = arith.constant 100 : i32
        %dma_wait3A_141 = arith.constant 0 : i32
        %dma_wait3A_142 = tpu.memref_slice %arg7[%dma_wait3A_140, %dma_wait3A_141] : memref<800x64xf32, #tpu.memory_space<vmem>> -> memref<50x64xf32, #tpu.memory_space<vmem>>
        tpu.wait_dma2 semaphore(%run_scoped3A : memref<!tpu.dma_semaphore, #tpu.memory_space<semaphore_mem>>) src(%dma_wait3A_142 : memref<50x64xf32, #tpu.memory_space<vmem>>) dst(%dma_wait3A_139 : memref<50x64xf32, #tpu.memory_space<hbm>>)
        tpu.yield
      }) : () -> ()
      %add3A_89 = arith.constant 3 : i32
      %add3A_90 = arith.addi %add3A_82, %add3A_89 : i32
      "tpu.region"() ({
        %run_scoped3A = tpu.sem_alloc : memref<!tpu.dma_semaphore, #tpu.memory_space<semaphore_mem>>
        %dma_start3A_115 = arith.constant 150 : i32
        %dma_start3A_116 = arith.constant 0 : i32
        %dma_start3A_117 = tpu.memref_slice %arg7[%dma_start3A_115, %dma_start3A_116] : memref<800x64xf32, #tpu.memory_space<vmem>> -> memref<50x64xf32, #tpu.memory_space<vmem>>
        %dma_start3A_118 = arith.constant 0 : i32
        %dma_start3A_119 = arith.constant 0 : i32
        %dma_start3A_120 = tpu.memref_slice %arg4[%add3A_90, %dma_start3A_118, %dma_start3A_119] : memref<16384x50x64xf32, #tpu.memory_space<hbm>> -> memref<1x50x64xf32, #tpu.memory_space<hbm>>
        %dma_start3A_121 = tpu.memref_squeeze %dma_start3A_120 : memref<1x50x64xf32, #tpu.memory_space<hbm>> -> memref<50x64xf32, #tpu.memory_space<hbm>>
        %dma_start3A_122 = arith.constant 0 : i32
        %dma_start3A_123 = arith.constant 0 : i32
        %dma_start3A_124 = tpu.memref_slice %arg4[%add3A_90, %dma_start3A_122, %dma_start3A_123] : memref<16384x50x64xf32, #tpu.memory_space<hbm>> -> memref<1x50x64xf32, #tpu.memory_space<hbm>>
        %dma_start3A_125 = tpu.memref_squeeze %dma_start3A_124 : memref<1x50x64xf32, #tpu.memory_space<hbm>> -> memref<50x64xf32, #tpu.memory_space<hbm>>
        %dma_start3A_126 = arith.constant 150 : i32
        %dma_start3A_127 = arith.constant 0 : i32
        %dma_start3A_128 = tpu.memref_slice %arg7[%dma_start3A_126, %dma_start3A_127] : memref<800x64xf32, #tpu.memory_space<vmem>> -> memref<50x64xf32, #tpu.memory_space<vmem>>
        tpu.enqueue_dma source(%dma_start3A_128 : memref<50x64xf32, #tpu.memory_space<vmem>>) target(%dma_start3A_125 : memref<50x64xf32, #tpu.memory_space<hbm>>) target_semaphore(%run_scoped3A : memref<!tpu.dma_semaphore, #tpu.memory_space<semaphore_mem>>)
        %dma_wait3A_129 = arith.constant 150 : i32
        %dma_wait3A_130 = arith.constant 0 : i32
        %dma_wait3A_131 = tpu.memref_slice %arg7[%dma_wait3A_129, %dma_wait3A_130] : memref<800x64xf32, #tpu.memory_space<vmem>> -> memref<50x64xf32, #tpu.memory_space<vmem>>
        %dma_wait3A_132 = arith.constant 0 : i32
        %dma_wait3A_133 = arith.constant 0 : i32
        %dma_wait3A_134 = tpu.memref_slice %arg4[%add3A_90, %dma_wait3A_132, %dma_wait3A_133] : memref<16384x50x64xf32, #tpu.memory_space<hbm>> -> memref<1x50x64xf32, #tpu.memory_space<hbm>>
        %dma_wait3A_135 = tpu.memref_squeeze %dma_wait3A_134 : memref<1x50x64xf32, #tpu.memory_space<hbm>> -> memref<50x64xf32, #tpu.memory_space<hbm>>
        %dma_wait3A_136 = arith.constant 0 : i32
        %dma_wait3A_137 = arith.constant 0 : i32
        %dma_wait3A_138 = tpu.memref_slice %arg4[%add3A_90, %dma_wait3A_136, %dma_wait3A_137] : memref<16384x50x64xf32, #tpu.memory_space<hbm>> -> memref<1x50x64xf32, #tpu.memory_space<hbm>>
        %dma_wait3A_139 = tpu.memref_squeeze %dma_wait3A_138 : memref<1x50x64xf32, #tpu.memory_space<hbm>> -> memref<50x64xf32, #tpu.memory_space<hbm>>
        %dma_wait3A_140 = arith.constant 150 : i32
        %dma_wait3A_141 = arith.constant 0 : i32
        %dma_wait3A_142 = tpu.memref_slice %arg7[%dma_wait3A_140, %dma_wait3A_141] : memref<800x64xf32, #tpu.memory_space<vmem>> -> memref<50x64xf32, #tpu.memory_space<vmem>>
        tpu.wait_dma2 semaphore(%run_scoped3A : memref<!tpu.dma_semaphore, #tpu.memory_space<semaphore_mem>>) src(%dma_wait3A_142 : memref<50x64xf32, #tpu.memory_space<vmem>>) dst(%dma_wait3A_139 : memref<50x64xf32, #tpu.memory_space<hbm>>)
        tpu.yield
      }) : () -> ()
      %add3A_91 = arith.constant 4 : i32
      %add3A_92 = arith.addi %add3A_82, %add3A_91 : i32
      "tpu.region"() ({
        %run_scoped3A = tpu.sem_alloc : memref<!tpu.dma_semaphore, #tpu.memory_space<semaphore_mem>>
        %dma_start3A_115 = arith.constant 200 : i32
        %dma_start3A_116 = arith.constant 0 : i32
        %dma_start3A_117 = tpu.memref_slice %arg7[%dma_start3A_115, %dma_start3A_116] : memref<800x64xf32, #tpu.memory_space<vmem>> -> memref<50x64xf32, #tpu.memory_space<vmem>>
        %dma_start3A_118 = arith.constant 0 : i32
        %dma_start3A_119 = arith.constant 0 : i32
        %dma_start3A_120 = tpu.memref_slice %arg4[%add3A_92, %dma_start3A_118, %dma_start3A_119] : memref<16384x50x64xf32, #tpu.memory_space<hbm>> -> memref<1x50x64xf32, #tpu.memory_space<hbm>>
        %dma_start3A_121 = tpu.memref_squeeze %dma_start3A_120 : memref<1x50x64xf32, #tpu.memory_space<hbm>> -> memref<50x64xf32, #tpu.memory_space<hbm>>
        %dma_start3A_122 = arith.constant 0 : i32
        %dma_start3A_123 = arith.constant 0 : i32
        %dma_start3A_124 = tpu.memref_slice %arg4[%add3A_92, %dma_start3A_122, %dma_start3A_123] : memref<16384x50x64xf32, #tpu.memory_space<hbm>> -> memref<1x50x64xf32, #tpu.memory_space<hbm>>
        %dma_start3A_125 = tpu.memref_squeeze %dma_start3A_124 : memref<1x50x64xf32, #tpu.memory_space<hbm>> -> memref<50x64xf32, #tpu.memory_space<hbm>>
        %dma_start3A_126 = arith.constant 200 : i32
        %dma_start3A_127 = arith.constant 0 : i32
        %dma_start3A_128 = tpu.memref_slice %arg7[%dma_start3A_126, %dma_start3A_127] : memref<800x64xf32, #tpu.memory_space<vmem>> -> memref<50x64xf32, #tpu.memory_space<vmem>>
        tpu.enqueue_dma source(%dma_start3A_128 : memref<50x64xf32, #tpu.memory_space<vmem>>) target(%dma_start3A_125 : memref<50x64xf32, #tpu.memory_space<hbm>>) target_semaphore(%run_scoped3A : memref<!tpu.dma_semaphore, #tpu.memory_space<semaphore_mem>>)
        %dma_wait3A_129 = arith.constant 200 : i32
        %dma_wait3A_130 = arith.constant 0 : i32
        %dma_wait3A_131 = tpu.memref_slice %arg7[%dma_wait3A_129, %dma_wait3A_130] : memref<800x64xf32, #tpu.memory_space<vmem>> -> memref<50x64xf32, #tpu.memory_space<vmem>>
        %dma_wait3A_132 = arith.constant 0 : i32
        %dma_wait3A_133 = arith.constant 0 : i32
        %dma_wait3A_134 = tpu.memref_slice %arg4[%add3A_92, %dma_wait3A_132, %dma_wait3A_133] : memref<16384x50x64xf32, #tpu.memory_space<hbm>> -> memref<1x50x64xf32, #tpu.memory_space<hbm>>
        %dma_wait3A_135 = tpu.memref_squeeze %dma_wait3A_134 : memref<1x50x64xf32, #tpu.memory_space<hbm>> -> memref<50x64xf32, #tpu.memory_space<hbm>>
        %dma_wait3A_136 = arith.constant 0 : i32
        %dma_wait3A_137 = arith.constant 0 : i32
        %dma_wait3A_138 = tpu.memref_slice %arg4[%add3A_92, %dma_wait3A_136, %dma_wait3A_137] : memref<16384x50x64xf32, #tpu.memory_space<hbm>> -> memref<1x50x64xf32, #tpu.memory_space<hbm>>
        %dma_wait3A_139 = tpu.memref_squeeze %dma_wait3A_138 : memref<1x50x64xf32, #tpu.memory_space<hbm>> -> memref<50x64xf32, #tpu.memory_space<hbm>>
        %dma_wait3A_140 = arith.constant 200 : i32
        %dma_wait3A_141 = arith.constant 0 : i32
        %dma_wait3A_142 = tpu.memref_slice %arg7[%dma_wait3A_140, %dma_wait3A_141] : memref<800x64xf32, #tpu.memory_space<vmem>> -> memref<50x64xf32, #tpu.memory_space<vmem>>
        tpu.wait_dma2 semaphore(%run_scoped3A : memref<!tpu.dma_semaphore, #tpu.memory_space<semaphore_mem>>) src(%dma_wait3A_142 : memref<50x64xf32, #tpu.memory_space<vmem>>) dst(%dma_wait3A_139 : memref<50x64xf32, #tpu.memory_space<hbm>>)
        tpu.yield
      }) : () -> ()
      %add3A_93 = arith.constant 5 : i32
      %add3A_94 = arith.addi %add3A_82, %add3A_93 : i32
      "tpu.region"() ({
        %run_scoped3A = tpu.sem_alloc : memref<!tpu.dma_semaphore, #tpu.memory_space<semaphore_mem>>
        %dma_start3A_115 = arith.constant 250 : i32
        %dma_start3A_116 = arith.constant 0 : i32
        %dma_start3A_117 = tpu.memref_slice %arg7[%dma_start3A_115, %dma_start3A_116] : memref<800x64xf32, #tpu.memory_space<vmem>> -> memref<50x64xf32, #tpu.memory_space<vmem>>
        %dma_start3A_118 = arith.constant 0 : i32
        %dma_start3A_119 = arith.constant 0 : i32
        %dma_start3A_120 = tpu.memref_slice %arg4[%add3A_94, %dma_start3A_118, %dma_start3A_119] : memref<16384x50x64xf32, #tpu.memory_space<hbm>> -> memref<1x50x64xf32, #tpu.memory_space<hbm>>
        %dma_start3A_121 = tpu.memref_squeeze %dma_start3A_120 : memref<1x50x64xf32, #tpu.memory_space<hbm>> -> memref<50x64xf32, #tpu.memory_space<hbm>>
        %dma_start3A_122 = arith.constant 0 : i32
        %dma_start3A_123 = arith.constant 0 : i32
        %dma_start3A_124 = tpu.memref_slice %arg4[%add3A_94, %dma_start3A_122, %dma_start3A_123] : memref<16384x50x64xf32, #tpu.memory_space<hbm>> -> memref<1x50x64xf32, #tpu.memory_space<hbm>>
        %dma_start3A_125 = tpu.memref_squeeze %dma_start3A_124 : memref<1x50x64xf32, #tpu.memory_space<hbm>> -> memref<50x64xf32, #tpu.memory_space<hbm>>
        %dma_start3A_126 = arith.constant 250 : i32
        %dma_start3A_127 = arith.constant 0 : i32
        %dma_start3A_128 = tpu.memref_slice %arg7[%dma_start3A_126, %dma_start3A_127] : memref<800x64xf32, #tpu.memory_space<vmem>> -> memref<50x64xf32, #tpu.memory_space<vmem>>
        tpu.enqueue_dma source(%dma_start3A_128 : memref<50x64xf32, #tpu.memory_space<vmem>>) target(%dma_start3A_125 : memref<50x64xf32, #tpu.memory_space<hbm>>) target_semaphore(%run_scoped3A : memref<!tpu.dma_semaphore, #tpu.memory_space<semaphore_mem>>)
        %dma_wait3A_129 = arith.constant 250 : i32
        %dma_wait3A_130 = arith.constant 0 : i32
        %dma_wait3A_131 = tpu.memref_slice %arg7[%dma_wait3A_129, %dma_wait3A_130] : memref<800x64xf32, #tpu.memory_space<vmem>> -> memref<50x64xf32, #tpu.memory_space<vmem>>
        %dma_wait3A_132 = arith.constant 0 : i32
        %dma_wait3A_133 = arith.constant 0 : i32
        %dma_wait3A_134 = tpu.memref_slice %arg4[%add3A_94, %dma_wait3A_132, %dma_wait3A_133] : memref<16384x50x64xf32, #tpu.memory_space<hbm>> -> memref<1x50x64xf32, #tpu.memory_space<hbm>>
        %dma_wait3A_135 = tpu.memref_squeeze %dma_wait3A_134 : memref<1x50x64xf32, #tpu.memory_space<hbm>> -> memref<50x64xf32, #tpu.memory_space<hbm>>
        %dma_wait3A_136 = arith.constant 0 : i32
        %dma_wait3A_137 = arith.constant 0 : i32
        %dma_wait3A_138 = tpu.memref_slice %arg4[%add3A_94, %dma_wait3A_136, %dma_wait3A_137] : memref<16384x50x64xf32, #tpu.memory_space<hbm>> -> memref<1x50x64xf32, #tpu.memory_space<hbm>>
        %dma_wait3A_139 = tpu.memref_squeeze %dma_wait3A_138 : memref<1x50x64xf32, #tpu.memory_space<hbm>> -> memref<50x64xf32, #tpu.memory_space<hbm>>
        %dma_wait3A_140 = arith.constant 250 : i32
        %dma_wait3A_141 = arith.constant 0 : i32
        %dma_wait3A_142 = tpu.memref_slice %arg7[%dma_wait3A_140, %dma_wait3A_141] : memref<800x64xf32, #tpu.memory_space<vmem>> -> memref<50x64xf32, #tpu.memory_space<vmem>>
        tpu.wait_dma2 semaphore(%run_scoped3A : memref<!tpu.dma_semaphore, #tpu.memory_space<semaphore_mem>>) src(%dma_wait3A_142 : memref<50x64xf32, #tpu.memory_space<vmem>>) dst(%dma_wait3A_139 : memref<50x64xf32, #tpu.memory_space<hbm>>)
        tpu.yield
      }) : () -> ()
      %add3A_95 = arith.constant 6 : i32
      %add3A_96 = arith.addi %add3A_82, %add3A_95 : i32
      "tpu.region"() ({
        %run_scoped3A = tpu.sem_alloc : memref<!tpu.dma_semaphore, #tpu.memory_space<semaphore_mem>>
        %dma_start3A_115 = arith.constant 300 : i32
        %dma_start3A_116 = arith.constant 0 : i32
        %dma_start3A_117 = tpu.memref_slice %arg7[%dma_start3A_115, %dma_start3A_116] : memref<800x64xf32, #tpu.memory_space<vmem>> -> memref<50x64xf32, #tpu.memory_space<vmem>>
        %dma_start3A_118 = arith.constant 0 : i32
        %dma_start3A_119 = arith.constant 0 : i32
        %dma_start3A_120 = tpu.memref_slice %arg4[%add3A_96, %dma_start3A_118, %dma_start3A_119] : memref<16384x50x64xf32, #tpu.memory_space<hbm>> -> memref<1x50x64xf32, #tpu.memory_space<hbm>>
        %dma_start3A_121 = tpu.memref_squeeze %dma_start3A_120 : memref<1x50x64xf32, #tpu.memory_space<hbm>> -> memref<50x64xf32, #tpu.memory_space<hbm>>
        %dma_start3A_122 = arith.constant 0 : i32
        %dma_start3A_123 = arith.constant 0 : i32
        %dma_start3A_124 = tpu.memref_slice %arg4[%add3A_96, %dma_start3A_122, %dma_start3A_123] : memref<16384x50x64xf32, #tpu.memory_space<hbm>> -> memref<1x50x64xf32, #tpu.memory_space<hbm>>
        %dma_start3A_125 = tpu.memref_squeeze %dma_start3A_124 : memref<1x50x64xf32, #tpu.memory_space<hbm>> -> memref<50x64xf32, #tpu.memory_space<hbm>>
        %dma_start3A_126 = arith.constant 300 : i32
        %dma_start3A_127 = arith.constant 0 : i32
        %dma_start3A_128 = tpu.memref_slice %arg7[%dma_start3A_126, %dma_start3A_127] : memref<800x64xf32, #tpu.memory_space<vmem>> -> memref<50x64xf32, #tpu.memory_space<vmem>>
        tpu.enqueue_dma source(%dma_start3A_128 : memref<50x64xf32, #tpu.memory_space<vmem>>) target(%dma_start3A_125 : memref<50x64xf32, #tpu.memory_space<hbm>>) target_semaphore(%run_scoped3A : memref<!tpu.dma_semaphore, #tpu.memory_space<semaphore_mem>>)
        %dma_wait3A_129 = arith.constant 300 : i32
        %dma_wait3A_130 = arith.constant 0 : i32
        %dma_wait3A_131 = tpu.memref_slice %arg7[%dma_wait3A_129, %dma_wait3A_130] : memref<800x64xf32, #tpu.memory_space<vmem>> -> memref<50x64xf32, #tpu.memory_space<vmem>>
        %dma_wait3A_132 = arith.constant 0 : i32
        %dma_wait3A_133 = arith.constant 0 : i32
        %dma_wait3A_134 = tpu.memref_slice %arg4[%add3A_96, %dma_wait3A_132, %dma_wait3A_133] : memref<16384x50x64xf32, #tpu.memory_space<hbm>> -> memref<1x50x64xf32, #tpu.memory_space<hbm>>
        %dma_wait3A_135 = tpu.memref_squeeze %dma_wait3A_134 : memref<1x50x64xf32, #tpu.memory_space<hbm>> -> memref<50x64xf32, #tpu.memory_space<hbm>>
        %dma_wait3A_136 = arith.constant 0 : i32
        %dma_wait3A_137 = arith.constant 0 : i32
        %dma_wait3A_138 = tpu.memref_slice %arg4[%add3A_96, %dma_wait3A_136, %dma_wait3A_137] : memref<16384x50x64xf32, #tpu.memory_space<hbm>> -> memref<1x50x64xf32, #tpu.memory_space<hbm>>
        %dma_wait3A_139 = tpu.memref_squeeze %dma_wait3A_138 : memref<1x50x64xf32, #tpu.memory_space<hbm>> -> memref<50x64xf32, #tpu.memory_space<hbm>>
        %dma_wait3A_140 = arith.constant 300 : i32
        %dma_wait3A_141 = arith.constant 0 : i32
        %dma_wait3A_142 = tpu.memref_slice %arg7[%dma_wait3A_140, %dma_wait3A_141] : memref<800x64xf32, #tpu.memory_space<vmem>> -> memref<50x64xf32, #tpu.memory_space<vmem>>
        tpu.wait_dma2 semaphore(%run_scoped3A : memref<!tpu.dma_semaphore, #tpu.memory_space<semaphore_mem>>) src(%dma_wait3A_142 : memref<50x64xf32, #tpu.memory_space<vmem>>) dst(%dma_wait3A_139 : memref<50x64xf32, #tpu.memory_space<hbm>>)
        tpu.yield
      }) : () -> ()
      %add3A_97 = arith.constant 7 : i32
      %add3A_98 = arith.addi %add3A_82, %add3A_97 : i32
      "tpu.region"() ({
        %run_scoped3A = tpu.sem_alloc : memref<!tpu.dma_semaphore, #tpu.memory_space<semaphore_mem>>
        %dma_start3A_115 = arith.constant 350 : i32
        %dma_start3A_116 = arith.constant 0 : i32
        %dma_start3A_117 = tpu.memref_slice %arg7[%dma_start3A_115, %dma_start3A_116] : memref<800x64xf32, #tpu.memory_space<vmem>> -> memref<50x64xf32, #tpu.memory_space<vmem>>
        %dma_start3A_118 = arith.constant 0 : i32
        %dma_start3A_119 = arith.constant 0 : i32
        %dma_start3A_120 = tpu.memref_slice %arg4[%add3A_98, %dma_start3A_118, %dma_start3A_119] : memref<16384x50x64xf32, #tpu.memory_space<hbm>> -> memref<1x50x64xf32, #tpu.memory_space<hbm>>
        %dma_start3A_121 = tpu.memref_squeeze %dma_start3A_120 : memref<1x50x64xf32, #tpu.memory_space<hbm>> -> memref<50x64xf32, #tpu.memory_space<hbm>>
        %dma_start3A_122 = arith.constant 0 : i32
        %dma_start3A_123 = arith.constant 0 : i32
        %dma_start3A_124 = tpu.memref_slice %arg4[%add3A_98, %dma_start3A_122, %dma_start3A_123] : memref<16384x50x64xf32, #tpu.memory_space<hbm>> -> memref<1x50x64xf32, #tpu.memory_space<hbm>>
        %dma_start3A_125 = tpu.memref_squeeze %dma_start3A_124 : memref<1x50x64xf32, #tpu.memory_space<hbm>> -> memref<50x64xf32, #tpu.memory_space<hbm>>
        %dma_start3A_126 = arith.constant 350 : i32
        %dma_start3A_127 = arith.constant 0 : i32
        %dma_start3A_128 = tpu.memref_slice %arg7[%dma_start3A_126, %dma_start3A_127] : memref<800x64xf32, #tpu.memory_space<vmem>> -> memref<50x64xf32, #tpu.memory_space<vmem>>
        tpu.enqueue_dma source(%dma_start3A_128 : memref<50x64xf32, #tpu.memory_space<vmem>>) target(%dma_start3A_125 : memref<50x64xf32, #tpu.memory_space<hbm>>) target_semaphore(%run_scoped3A : memref<!tpu.dma_semaphore, #tpu.memory_space<semaphore_mem>>)
        %dma_wait3A_129 = arith.constant 350 : i32
        %dma_wait3A_130 = arith.constant 0 : i32
        %dma_wait3A_131 = tpu.memref_slice %arg7[%dma_wait3A_129, %dma_wait3A_130] : memref<800x64xf32, #tpu.memory_space<vmem>> -> memref<50x64xf32, #tpu.memory_space<vmem>>
        %dma_wait3A_132 = arith.constant 0 : i32
        %dma_wait3A_133 = arith.constant 0 : i32
        %dma_wait3A_134 = tpu.memref_slice %arg4[%add3A_98, %dma_wait3A_132, %dma_wait3A_133] : memref<16384x50x64xf32, #tpu.memory_space<hbm>> -> memref<1x50x64xf32, #tpu.memory_space<hbm>>
        %dma_wait3A_135 = tpu.memref_squeeze %dma_wait3A_134 : memref<1x50x64xf32, #tpu.memory_space<hbm>> -> memref<50x64xf32, #tpu.memory_space<hbm>>
        %dma_wait3A_136 = arith.constant 0 : i32
        %dma_wait3A_137 = arith.constant 0 : i32
        %dma_wait3A_138 = tpu.memref_slice %arg4[%add3A_98, %dma_wait3A_136, %dma_wait3A_137] : memref<16384x50x64xf32, #tpu.memory_space<hbm>> -> memref<1x50x64xf32, #tpu.memory_space<hbm>>
        %dma_wait3A_139 = tpu.memref_squeeze %dma_wait3A_138 : memref<1x50x64xf32, #tpu.memory_space<hbm>> -> memref<50x64xf32, #tpu.memory_space<hbm>>
        %dma_wait3A_140 = arith.constant 350 : i32
        %dma_wait3A_141 = arith.constant 0 : i32
        %dma_wait3A_142 = tpu.memref_slice %arg7[%dma_wait3A_140, %dma_wait3A_141] : memref<800x64xf32, #tpu.memory_space<vmem>> -> memref<50x64xf32, #tpu.memory_space<vmem>>
        tpu.wait_dma2 semaphore(%run_scoped3A : memref<!tpu.dma_semaphore, #tpu.memory_space<semaphore_mem>>) src(%dma_wait3A_142 : memref<50x64xf32, #tpu.memory_space<vmem>>) dst(%dma_wait3A_139 : memref<50x64xf32, #tpu.memory_space<hbm>>)
        tpu.yield
      }) : () -> ()
      %add3A_99 = arith.constant 8 : i32
      %add3A_100 = arith.addi %add3A_82, %add3A_99 : i32
      "tpu.region"() ({
        %run_scoped3A = tpu.sem_alloc : memref<!tpu.dma_semaphore, #tpu.memory_space<semaphore_mem>>
        %dma_start3A_115 = arith.constant 400 : i32
        %dma_start3A_116 = arith.constant 0 : i32
        %dma_start3A_117 = tpu.memref_slice %arg7[%dma_start3A_115, %dma_start3A_116] : memref<800x64xf32, #tpu.memory_space<vmem>> -> memref<50x64xf32, #tpu.memory_space<vmem>>
        %dma_start3A_118 = arith.constant 0 : i32
        %dma_start3A_119 = arith.constant 0 : i32
        %dma_start3A_120 = tpu.memref_slice %arg4[%add3A_100, %dma_start3A_118, %dma_start3A_119] : memref<16384x50x64xf32, #tpu.memory_space<hbm>> -> memref<1x50x64xf32, #tpu.memory_space<hbm>>
        %dma_start3A_121 = tpu.memref_squeeze %dma_start3A_120 : memref<1x50x64xf32, #tpu.memory_space<hbm>> -> memref<50x64xf32, #tpu.memory_space<hbm>>
        %dma_start3A_122 = arith.constant 0 : i32
        %dma_start3A_123 = arith.constant 0 : i32
        %dma_start3A_124 = tpu.memref_slice %arg4[%add3A_100, %dma_start3A_122, %dma_start3A_123] : memref<16384x50x64xf32, #tpu.memory_space<hbm>> -> memref<1x50x64xf32, #tpu.memory_space<hbm>>
        %dma_start3A_125 = tpu.memref_squeeze %dma_start3A_124 : memref<1x50x64xf32, #tpu.memory_space<hbm>> -> memref<50x64xf32, #tpu.memory_space<hbm>>
        %dma_start3A_126 = arith.constant 400 : i32
        %dma_start3A_127 = arith.constant 0 : i32
        %dma_start3A_128 = tpu.memref_slice %arg7[%dma_start3A_126, %dma_start3A_127] : memref<800x64xf32, #tpu.memory_space<vmem>> -> memref<50x64xf32, #tpu.memory_space<vmem>>
        tpu.enqueue_dma source(%dma_start3A_128 : memref<50x64xf32, #tpu.memory_space<vmem>>) target(%dma_start3A_125 : memref<50x64xf32, #tpu.memory_space<hbm>>) target_semaphore(%run_scoped3A : memref<!tpu.dma_semaphore, #tpu.memory_space<semaphore_mem>>)
        %dma_wait3A_129 = arith.constant 400 : i32
        %dma_wait3A_130 = arith.constant 0 : i32
        %dma_wait3A_131 = tpu.memref_slice %arg7[%dma_wait3A_129, %dma_wait3A_130] : memref<800x64xf32, #tpu.memory_space<vmem>> -> memref<50x64xf32, #tpu.memory_space<vmem>>
        %dma_wait3A_132 = arith.constant 0 : i32
        %dma_wait3A_133 = arith.constant 0 : i32
        %dma_wait3A_134 = tpu.memref_slice %arg4[%add3A_100, %dma_wait3A_132, %dma_wait3A_133] : memref<16384x50x64xf32, #tpu.memory_space<hbm>> -> memref<1x50x64xf32, #tpu.memory_space<hbm>>
        %dma_wait3A_135 = tpu.memref_squeeze %dma_wait3A_134 : memref<1x50x64xf32, #tpu.memory_space<hbm>> -> memref<50x64xf32, #tpu.memory_space<hbm>>
        %dma_wait3A_136 = arith.constant 0 : i32
        %dma_wait3A_137 = arith.constant 0 : i32
        %dma_wait3A_138 = tpu.memref_slice %arg4[%add3A_100, %dma_wait3A_136, %dma_wait3A_137] : memref<16384x50x64xf32, #tpu.memory_space<hbm>> -> memref<1x50x64xf32, #tpu.memory_space<hbm>>
        %dma_wait3A_139 = tpu.memref_squeeze %dma_wait3A_138 : memref<1x50x64xf32, #tpu.memory_space<hbm>> -> memref<50x64xf32, #tpu.memory_space<hbm>>
        %dma_wait3A_140 = arith.constant 400 : i32
        %dma_wait3A_141 = arith.constant 0 : i32
        %dma_wait3A_142 = tpu.memref_slice %arg7[%dma_wait3A_140, %dma_wait3A_141] : memref<800x64xf32, #tpu.memory_space<vmem>> -> memref<50x64xf32, #tpu.memory_space<vmem>>
        tpu.wait_dma2 semaphore(%run_scoped3A : memref<!tpu.dma_semaphore, #tpu.memory_space<semaphore_mem>>) src(%dma_wait3A_142 : memref<50x64xf32, #tpu.memory_space<vmem>>) dst(%dma_wait3A_139 : memref<50x64xf32, #tpu.memory_space<hbm>>)
        tpu.yield
      }) : () -> ()
      %add3A_101 = arith.constant 9 : i32
      %add3A_102 = arith.addi %add3A_82, %add3A_101 : i32
      "tpu.region"() ({
        %run_scoped3A = tpu.sem_alloc : memref<!tpu.dma_semaphore, #tpu.memory_space<semaphore_mem>>
        %dma_start3A_115 = arith.constant 450 : i32
        %dma_start3A_116 = arith.constant 0 : i32
        %dma_start3A_117 = tpu.memref_slice %arg7[%dma_start3A_115, %dma_start3A_116] : memref<800x64xf32, #tpu.memory_space<vmem>> -> memref<50x64xf32, #tpu.memory_space<vmem>>
        %dma_start3A_118 = arith.constant 0 : i32
        %dma_start3A_119 = arith.constant 0 : i32
        %dma_start3A_120 = tpu.memref_slice %arg4[%add3A_102, %dma_start3A_118, %dma_start3A_119] : memref<16384x50x64xf32, #tpu.memory_space<hbm>> -> memref<1x50x64xf32, #tpu.memory_space<hbm>>
        %dma_start3A_121 = tpu.memref_squeeze %dma_start3A_120 : memref<1x50x64xf32, #tpu.memory_space<hbm>> -> memref<50x64xf32, #tpu.memory_space<hbm>>
        %dma_start3A_122 = arith.constant 0 : i32
        %dma_start3A_123 = arith.constant 0 : i32
        %dma_start3A_124 = tpu.memref_slice %arg4[%add3A_102, %dma_start3A_122, %dma_start3A_123] : memref<16384x50x64xf32, #tpu.memory_space<hbm>> -> memref<1x50x64xf32, #tpu.memory_space<hbm>>
        %dma_start3A_125 = tpu.memref_squeeze %dma_start3A_124 : memref<1x50x64xf32, #tpu.memory_space<hbm>> -> memref<50x64xf32, #tpu.memory_space<hbm>>
        %dma_start3A_126 = arith.constant 450 : i32
        %dma_start3A_127 = arith.constant 0 : i32
        %dma_start3A_128 = tpu.memref_slice %arg7[%dma_start3A_126, %dma_start3A_127] : memref<800x64xf32, #tpu.memory_space<vmem>> -> memref<50x64xf32, #tpu.memory_space<vmem>>
        tpu.enqueue_dma source(%dma_start3A_128 : memref<50x64xf32, #tpu.memory_space<vmem>>) target(%dma_start3A_125 : memref<50x64xf32, #tpu.memory_space<hbm>>) target_semaphore(%run_scoped3A : memref<!tpu.dma_semaphore, #tpu.memory_space<semaphore_mem>>)
        %dma_wait3A_129 = arith.constant 450 : i32
        %dma_wait3A_130 = arith.constant 0 : i32
        %dma_wait3A_131 = tpu.memref_slice %arg7[%dma_wait3A_129, %dma_wait3A_130] : memref<800x64xf32, #tpu.memory_space<vmem>> -> memref<50x64xf32, #tpu.memory_space<vmem>>
        %dma_wait3A_132 = arith.constant 0 : i32
        %dma_wait3A_133 = arith.constant 0 : i32
        %dma_wait3A_134 = tpu.memref_slice %arg4[%add3A_102, %dma_wait3A_132, %dma_wait3A_133] : memref<16384x50x64xf32, #tpu.memory_space<hbm>> -> memref<1x50x64xf32, #tpu.memory_space<hbm>>
        %dma_wait3A_135 = tpu.memref_squeeze %dma_wait3A_134 : memref<1x50x64xf32, #tpu.memory_space<hbm>> -> memref<50x64xf32, #tpu.memory_space<hbm>>
        %dma_wait3A_136 = arith.constant 0 : i32
        %dma_wait3A_137 = arith.constant 0 : i32
        %dma_wait3A_138 = tpu.memref_slice %arg4[%add3A_102, %dma_wait3A_136, %dma_wait3A_137] : memref<16384x50x64xf32, #tpu.memory_space<hbm>> -> memref<1x50x64xf32, #tpu.memory_space<hbm>>
        %dma_wait3A_139 = tpu.memref_squeeze %dma_wait3A_138 : memref<1x50x64xf32, #tpu.memory_space<hbm>> -> memref<50x64xf32, #tpu.memory_space<hbm>>
        %dma_wait3A_140 = arith.constant 450 : i32
        %dma_wait3A_141 = arith.constant 0 : i32
        %dma_wait3A_142 = tpu.memref_slice %arg7[%dma_wait3A_140, %dma_wait3A_141] : memref<800x64xf32, #tpu.memory_space<vmem>> -> memref<50x64xf32, #tpu.memory_space<vmem>>
        tpu.wait_dma2 semaphore(%run_scoped3A : memref<!tpu.dma_semaphore, #tpu.memory_space<semaphore_mem>>) src(%dma_wait3A_142 : memref<50x64xf32, #tpu.memory_space<vmem>>) dst(%dma_wait3A_139 : memref<50x64xf32, #tpu.memory_space<hbm>>)
        tpu.yield
      }) : () -> ()
      %add3A_103 = arith.constant 10 : i32
      %add3A_104 = arith.addi %add3A_82, %add3A_103 : i32
      "tpu.region"() ({
        %run_scoped3A = tpu.sem_alloc : memref<!tpu.dma_semaphore, #tpu.memory_space<semaphore_mem>>
        %dma_start3A_115 = arith.constant 500 : i32
        %dma_start3A_116 = arith.constant 0 : i32
        %dma_start3A_117 = tpu.memref_slice %arg7[%dma_start3A_115, %dma_start3A_116] : memref<800x64xf32, #tpu.memory_space<vmem>> -> memref<50x64xf32, #tpu.memory_space<vmem>>
        %dma_start3A_118 = arith.constant 0 : i32
        %dma_start3A_119 = arith.constant 0 : i32
        %dma_start3A_120 = tpu.memref_slice %arg4[%add3A_104, %dma_start3A_118, %dma_start3A_119] : memref<16384x50x64xf32, #tpu.memory_space<hbm>> -> memref<1x50x64xf32, #tpu.memory_space<hbm>>
        %dma_start3A_121 = tpu.memref_squeeze %dma_start3A_120 : memref<1x50x64xf32, #tpu.memory_space<hbm>> -> memref<50x64xf32, #tpu.memory_space<hbm>>
        %dma_start3A_122 = arith.constant 0 : i32
        %dma_start3A_123 = arith.constant 0 : i32
        %dma_start3A_124 = tpu.memref_slice %arg4[%add3A_104, %dma_start3A_122, %dma_start3A_123] : memref<16384x50x64xf32, #tpu.memory_space<hbm>> -> memref<1x50x64xf32, #tpu.memory_space<hbm>>
        %dma_start3A_125 = tpu.memref_squeeze %dma_start3A_124 : memref<1x50x64xf32, #tpu.memory_space<hbm>> -> memref<50x64xf32, #tpu.memory_space<hbm>>
        %dma_start3A_126 = arith.constant 500 : i32
        %dma_start3A_127 = arith.constant 0 : i32
        %dma_start3A_128 = tpu.memref_slice %arg7[%dma_start3A_126, %dma_start3A_127] : memref<800x64xf32, #tpu.memory_space<vmem>> -> memref<50x64xf32, #tpu.memory_space<vmem>>
        tpu.enqueue_dma source(%dma_start3A_128 : memref<50x64xf32, #tpu.memory_space<vmem>>) target(%dma_start3A_125 : memref<50x64xf32, #tpu.memory_space<hbm>>) target_semaphore(%run_scoped3A : memref<!tpu.dma_semaphore, #tpu.memory_space<semaphore_mem>>)
        %dma_wait3A_129 = arith.constant 500 : i32
        %dma_wait3A_130 = arith.constant 0 : i32
        %dma_wait3A_131 = tpu.memref_slice %arg7[%dma_wait3A_129, %dma_wait3A_130] : memref<800x64xf32, #tpu.memory_space<vmem>> -> memref<50x64xf32, #tpu.memory_space<vmem>>
        %dma_wait3A_132 = arith.constant 0 : i32
        %dma_wait3A_133 = arith.constant 0 : i32
        %dma_wait3A_134 = tpu.memref_slice %arg4[%add3A_104, %dma_wait3A_132, %dma_wait3A_133] : memref<16384x50x64xf32, #tpu.memory_space<hbm>> -> memref<1x50x64xf32, #tpu.memory_space<hbm>>
        %dma_wait3A_135 = tpu.memref_squeeze %dma_wait3A_134 : memref<1x50x64xf32, #tpu.memory_space<hbm>> -> memref<50x64xf32, #tpu.memory_space<hbm>>
        %dma_wait3A_136 = arith.constant 0 : i32
        %dma_wait3A_137 = arith.constant 0 : i32
        %dma_wait3A_138 = tpu.memref_slice %arg4[%add3A_104, %dma_wait3A_136, %dma_wait3A_137] : memref<16384x50x64xf32, #tpu.memory_space<hbm>> -> memref<1x50x64xf32, #tpu.memory_space<hbm>>
        %dma_wait3A_139 = tpu.memref_squeeze %dma_wait3A_138 : memref<1x50x64xf32, #tpu.memory_space<hbm>> -> memref<50x64xf32, #tpu.memory_space<hbm>>
        %dma_wait3A_140 = arith.constant 500 : i32
        %dma_wait3A_141 = arith.constant 0 : i32
        %dma_wait3A_142 = tpu.memref_slice %arg7[%dma_wait3A_140, %dma_wait3A_141] : memref<800x64xf32, #tpu.memory_space<vmem>> -> memref<50x64xf32, #tpu.memory_space<vmem>>
        tpu.wait_dma2 semaphore(%run_scoped3A : memref<!tpu.dma_semaphore, #tpu.memory_space<semaphore_mem>>) src(%dma_wait3A_142 : memref<50x64xf32, #tpu.memory_space<vmem>>) dst(%dma_wait3A_139 : memref<50x64xf32, #tpu.memory_space<hbm>>)
        tpu.yield
      }) : () -> ()
      %add3A_105 = arith.constant 11 : i32
      %add3A_106 = arith.addi %add3A_82, %add3A_105 : i32
      "tpu.region"() ({
        %run_scoped3A = tpu.sem_alloc : memref<!tpu.dma_semaphore, #tpu.memory_space<semaphore_mem>>
        %dma_start3A_115 = arith.constant 550 : i32
        %dma_start3A_116 = arith.constant 0 : i32
        %dma_start3A_117 = tpu.memref_slice %arg7[%dma_start3A_115, %dma_start3A_116] : memref<800x64xf32, #tpu.memory_space<vmem>> -> memref<50x64xf32, #tpu.memory_space<vmem>>
        %dma_start3A_118 = arith.constant 0 : i32
        %dma_start3A_119 = arith.constant 0 : i32
        %dma_start3A_120 = tpu.memref_slice %arg4[%add3A_106, %dma_start3A_118, %dma_start3A_119] : memref<16384x50x64xf32, #tpu.memory_space<hbm>> -> memref<1x50x64xf32, #tpu.memory_space<hbm>>
        %dma_start3A_121 = tpu.memref_squeeze %dma_start3A_120 : memref<1x50x64xf32, #tpu.memory_space<hbm>> -> memref<50x64xf32, #tpu.memory_space<hbm>>
        %dma_start3A_122 = arith.constant 0 : i32
        %dma_start3A_123 = arith.constant 0 : i32
        %dma_start3A_124 = tpu.memref_slice %arg4[%add3A_106, %dma_start3A_122, %dma_start3A_123] : memref<16384x50x64xf32, #tpu.memory_space<hbm>> -> memref<1x50x64xf32, #tpu.memory_space<hbm>>
        %dma_start3A_125 = tpu.memref_squeeze %dma_start3A_124 : memref<1x50x64xf32, #tpu.memory_space<hbm>> -> memref<50x64xf32, #tpu.memory_space<hbm>>
        %dma_start3A_126 = arith.constant 550 : i32
        %dma_start3A_127 = arith.constant 0 : i32
        %dma_start3A_128 = tpu.memref_slice %arg7[%dma_start3A_126, %dma_start3A_127] : memref<800x64xf32, #tpu.memory_space<vmem>> -> memref<50x64xf32, #tpu.memory_space<vmem>>
        tpu.enqueue_dma source(%dma_start3A_128 : memref<50x64xf32, #tpu.memory_space<vmem>>) target(%dma_start3A_125 : memref<50x64xf32, #tpu.memory_space<hbm>>) target_semaphore(%run_scoped3A : memref<!tpu.dma_semaphore, #tpu.memory_space<semaphore_mem>>)
        %dma_wait3A_129 = arith.constant 550 : i32
        %dma_wait3A_130 = arith.constant 0 : i32
        %dma_wait3A_131 = tpu.memref_slice %arg7[%dma_wait3A_129, %dma_wait3A_130] : memref<800x64xf32, #tpu.memory_space<vmem>> -> memref<50x64xf32, #tpu.memory_space<vmem>>
        %dma_wait3A_132 = arith.constant 0 : i32
        %dma_wait3A_133 = arith.constant 0 : i32
        %dma_wait3A_134 = tpu.memref_slice %arg4[%add3A_106, %dma_wait3A_132, %dma_wait3A_133] : memref<16384x50x64xf32, #tpu.memory_space<hbm>> -> memref<1x50x64xf32, #tpu.memory_space<hbm>>
        %dma_wait3A_135 = tpu.memref_squeeze %dma_wait3A_134 : memref<1x50x64xf32, #tpu.memory_space<hbm>> -> memref<50x64xf32, #tpu.memory_space<hbm>>
        %dma_wait3A_136 = arith.constant 0 : i32
        %dma_wait3A_137 = arith.constant 0 : i32
        %dma_wait3A_138 = tpu.memref_slice %arg4[%add3A_106, %dma_wait3A_136, %dma_wait3A_137] : memref<16384x50x64xf32, #tpu.memory_space<hbm>> -> memref<1x50x64xf32, #tpu.memory_space<hbm>>
        %dma_wait3A_139 = tpu.memref_squeeze %dma_wait3A_138 : memref<1x50x64xf32, #tpu.memory_space<hbm>> -> memref<50x64xf32, #tpu.memory_space<hbm>>
        %dma_wait3A_140 = arith.constant 550 : i32
        %dma_wait3A_141 = arith.constant 0 : i32
        %dma_wait3A_142 = tpu.memref_slice %arg7[%dma_wait3A_140, %dma_wait3A_141] : memref<800x64xf32, #tpu.memory_space<vmem>> -> memref<50x64xf32, #tpu.memory_space<vmem>>
        tpu.wait_dma2 semaphore(%run_scoped3A : memref<!tpu.dma_semaphore, #tpu.memory_space<semaphore_mem>>) src(%dma_wait3A_142 : memref<50x64xf32, #tpu.memory_space<vmem>>) dst(%dma_wait3A_139 : memref<50x64xf32, #tpu.memory_space<hbm>>)
        tpu.yield
      }) : () -> ()
      %add3A_107 = arith.constant 12 : i32
      %add3A_108 = arith.addi %add3A_82, %add3A_107 : i32
      "tpu.region"() ({
        %run_scoped3A = tpu.sem_alloc : memref<!tpu.dma_semaphore, #tpu.memory_space<semaphore_mem>>
        %dma_start3A_115 = arith.constant 600 : i32
        %dma_start3A_116 = arith.constant 0 : i32
        %dma_start3A_117 = tpu.memref_slice %arg7[%dma_start3A_115, %dma_start3A_116] : memref<800x64xf32, #tpu.memory_space<vmem>> -> memref<50x64xf32, #tpu.memory_space<vmem>>
        %dma_start3A_118 = arith.constant 0 : i32
        %dma_start3A_119 = arith.constant 0 : i32
        %dma_start3A_120 = tpu.memref_slice %arg4[%add3A_108, %dma_start3A_118, %dma_start3A_119] : memref<16384x50x64xf32, #tpu.memory_space<hbm>> -> memref<1x50x64xf32, #tpu.memory_space<hbm>>
        %dma_start3A_121 = tpu.memref_squeeze %dma_start3A_120 : memref<1x50x64xf32, #tpu.memory_space<hbm>> -> memref<50x64xf32, #tpu.memory_space<hbm>>
        %dma_start3A_122 = arith.constant 0 : i32
        %dma_start3A_123 = arith.constant 0 : i32
        %dma_start3A_124 = tpu.memref_slice %arg4[%add3A_108, %dma_start3A_122, %dma_start3A_123] : memref<16384x50x64xf32, #tpu.memory_space<hbm>> -> memref<1x50x64xf32, #tpu.memory_space<hbm>>
        %dma_start3A_125 = tpu.memref_squeeze %dma_start3A_124 : memref<1x50x64xf32, #tpu.memory_space<hbm>> -> memref<50x64xf32, #tpu.memory_space<hbm>>
        %dma_start3A_126 = arith.constant 600 : i32
        %dma_start3A_127 = arith.constant 0 : i32
        %dma_start3A_128 = tpu.memref_slice %arg7[%dma_start3A_126, %dma_start3A_127] : memref<800x64xf32, #tpu.memory_space<vmem>> -> memref<50x64xf32, #tpu.memory_space<vmem>>
        tpu.enqueue_dma source(%dma_start3A_128 : memref<50x64xf32, #tpu.memory_space<vmem>>) target(%dma_start3A_125 : memref<50x64xf32, #tpu.memory_space<hbm>>) target_semaphore(%run_scoped3A : memref<!tpu.dma_semaphore, #tpu.memory_space<semaphore_mem>>)
        %dma_wait3A_129 = arith.constant 600 : i32
        %dma_wait3A_130 = arith.constant 0 : i32
        %dma_wait3A_131 = tpu.memref_slice %arg7[%dma_wait3A_129, %dma_wait3A_130] : memref<800x64xf32, #tpu.memory_space<vmem>> -> memref<50x64xf32, #tpu.memory_space<vmem>>
        %dma_wait3A_132 = arith.constant 0 : i32
        %dma_wait3A_133 = arith.constant 0 : i32
        %dma_wait3A_134 = tpu.memref_slice %arg4[%add3A_108, %dma_wait3A_132, %dma_wait3A_133] : memref<16384x50x64xf32, #tpu.memory_space<hbm>> -> memref<1x50x64xf32, #tpu.memory_space<hbm>>
        %dma_wait3A_135 = tpu.memref_squeeze %dma_wait3A_134 : memref<1x50x64xf32, #tpu.memory_space<hbm>> -> memref<50x64xf32, #tpu.memory_space<hbm>>
        %dma_wait3A_136 = arith.constant 0 : i32
        %dma_wait3A_137 = arith.constant 0 : i32
        %dma_wait3A_138 = tpu.memref_slice %arg4[%add3A_108, %dma_wait3A_136, %dma_wait3A_137] : memref<16384x50x64xf32, #tpu.memory_space<hbm>> -> memref<1x50x64xf32, #tpu.memory_space<hbm>>
        %dma_wait3A_139 = tpu.memref_squeeze %dma_wait3A_138 : memref<1x50x64xf32, #tpu.memory_space<hbm>> -> memref<50x64xf32, #tpu.memory_space<hbm>>
        %dma_wait3A_140 = arith.constant 600 : i32
        %dma_wait3A_141 = arith.constant 0 : i32
        %dma_wait3A_142 = tpu.memref_slice %arg7[%dma_wait3A_140, %dma_wait3A_141] : memref<800x64xf32, #tpu.memory_space<vmem>> -> memref<50x64xf32, #tpu.memory_space<vmem>>
        tpu.wait_dma2 semaphore(%run_scoped3A : memref<!tpu.dma_semaphore, #tpu.memory_space<semaphore_mem>>) src(%dma_wait3A_142 : memref<50x64xf32, #tpu.memory_space<vmem>>) dst(%dma_wait3A_139 : memref<50x64xf32, #tpu.memory_space<hbm>>)
        tpu.yield
      }) : () -> ()
      %add3A_109 = arith.constant 13 : i32
      %add3A_110 = arith.addi %add3A_82, %add3A_109 : i32
      "tpu.region"() ({
        %run_scoped3A = tpu.sem_alloc : memref<!tpu.dma_semaphore, #tpu.memory_space<semaphore_mem>>
        %dma_start3A_115 = arith.constant 650 : i32
        %dma_start3A_116 = arith.constant 0 : i32
        %dma_start3A_117 = tpu.memref_slice %arg7[%dma_start3A_115, %dma_start3A_116] : memref<800x64xf32, #tpu.memory_space<vmem>> -> memref<50x64xf32, #tpu.memory_space<vmem>>
        %dma_start3A_118 = arith.constant 0 : i32
        %dma_start3A_119 = arith.constant 0 : i32
        %dma_start3A_120 = tpu.memref_slice %arg4[%add3A_110, %dma_start3A_118, %dma_start3A_119] : memref<16384x50x64xf32, #tpu.memory_space<hbm>> -> memref<1x50x64xf32, #tpu.memory_space<hbm>>
        %dma_start3A_121 = tpu.memref_squeeze %dma_start3A_120 : memref<1x50x64xf32, #tpu.memory_space<hbm>> -> memref<50x64xf32, #tpu.memory_space<hbm>>
        %dma_start3A_122 = arith.constant 0 : i32
        %dma_start3A_123 = arith.constant 0 : i32
        %dma_start3A_124 = tpu.memref_slice %arg4[%add3A_110, %dma_start3A_122, %dma_start3A_123] : memref<16384x50x64xf32, #tpu.memory_space<hbm>> -> memref<1x50x64xf32, #tpu.memory_space<hbm>>
        %dma_start3A_125 = tpu.memref_squeeze %dma_start3A_124 : memref<1x50x64xf32, #tpu.memory_space<hbm>> -> memref<50x64xf32, #tpu.memory_space<hbm>>
        %dma_start3A_126 = arith.constant 650 : i32
        %dma_start3A_127 = arith.constant 0 : i32
        %dma_start3A_128 = tpu.memref_slice %arg7[%dma_start3A_126, %dma_start3A_127] : memref<800x64xf32, #tpu.memory_space<vmem>> -> memref<50x64xf32, #tpu.memory_space<vmem>>
        tpu.enqueue_dma source(%dma_start3A_128 : memref<50x64xf32, #tpu.memory_space<vmem>>) target(%dma_start3A_125 : memref<50x64xf32, #tpu.memory_space<hbm>>) target_semaphore(%run_scoped3A : memref<!tpu.dma_semaphore, #tpu.memory_space<semaphore_mem>>)
        %dma_wait3A_129 = arith.constant 650 : i32
        %dma_wait3A_130 = arith.constant 0 : i32
        %dma_wait3A_131 = tpu.memref_slice %arg7[%dma_wait3A_129, %dma_wait3A_130] : memref<800x64xf32, #tpu.memory_space<vmem>> -> memref<50x64xf32, #tpu.memory_space<vmem>>
        %dma_wait3A_132 = arith.constant 0 : i32
        %dma_wait3A_133 = arith.constant 0 : i32
        %dma_wait3A_134 = tpu.memref_slice %arg4[%add3A_110, %dma_wait3A_132, %dma_wait3A_133] : memref<16384x50x64xf32, #tpu.memory_space<hbm>> -> memref<1x50x64xf32, #tpu.memory_space<hbm>>
        %dma_wait3A_135 = tpu.memref_squeeze %dma_wait3A_134 : memref<1x50x64xf32, #tpu.memory_space<hbm>> -> memref<50x64xf32, #tpu.memory_space<hbm>>
        %dma_wait3A_136 = arith.constant 0 : i32
        %dma_wait3A_137 = arith.constant 0 : i32
        %dma_wait3A_138 = tpu.memref_slice %arg4[%add3A_110, %dma_wait3A_136, %dma_wait3A_137] : memref<16384x50x64xf32, #tpu.memory_space<hbm>> -> memref<1x50x64xf32, #tpu.memory_space<hbm>>
        %dma_wait3A_139 = tpu.memref_squeeze %dma_wait3A_138 : memref<1x50x64xf32, #tpu.memory_space<hbm>> -> memref<50x64xf32, #tpu.memory_space<hbm>>
        %dma_wait3A_140 = arith.constant 650 : i32
        %dma_wait3A_141 = arith.constant 0 : i32
        %dma_wait3A_142 = tpu.memref_slice %arg7[%dma_wait3A_140, %dma_wait3A_141] : memref<800x64xf32, #tpu.memory_space<vmem>> -> memref<50x64xf32, #tpu.memory_space<vmem>>
        tpu.wait_dma2 semaphore(%run_scoped3A : memref<!tpu.dma_semaphore, #tpu.memory_space<semaphore_mem>>) src(%dma_wait3A_142 : memref<50x64xf32, #tpu.memory_space<vmem>>) dst(%dma_wait3A_139 : memref<50x64xf32, #tpu.memory_space<hbm>>)
        tpu.yield
      }) : () -> ()
      %add3A_111 = arith.constant 14 : i32
      %add3A_112 = arith.addi %add3A_82, %add3A_111 : i32
      "tpu.region"() ({
        %run_scoped3A = tpu.sem_alloc : memref<!tpu.dma_semaphore, #tpu.memory_space<semaphore_mem>>
        %dma_start3A_115 = arith.constant 700 : i32
        %dma_start3A_116 = arith.constant 0 : i32
        %dma_start3A_117 = tpu.memref_slice %arg7[%dma_start3A_115, %dma_start3A_116] : memref<800x64xf32, #tpu.memory_space<vmem>> -> memref<50x64xf32, #tpu.memory_space<vmem>>
        %dma_start3A_118 = arith.constant 0 : i32
        %dma_start3A_119 = arith.constant 0 : i32
        %dma_start3A_120 = tpu.memref_slice %arg4[%add3A_112, %dma_start3A_118, %dma_start3A_119] : memref<16384x50x64xf32, #tpu.memory_space<hbm>> -> memref<1x50x64xf32, #tpu.memory_space<hbm>>
        %dma_start3A_121 = tpu.memref_squeeze %dma_start3A_120 : memref<1x50x64xf32, #tpu.memory_space<hbm>> -> memref<50x64xf32, #tpu.memory_space<hbm>>
        %dma_start3A_122 = arith.constant 0 : i32
        %dma_start3A_123 = arith.constant 0 : i32
        %dma_start3A_124 = tpu.memref_slice %arg4[%add3A_112, %dma_start3A_122, %dma_start3A_123] : memref<16384x50x64xf32, #tpu.memory_space<hbm>> -> memref<1x50x64xf32, #tpu.memory_space<hbm>>
        %dma_start3A_125 = tpu.memref_squeeze %dma_start3A_124 : memref<1x50x64xf32, #tpu.memory_space<hbm>> -> memref<50x64xf32, #tpu.memory_space<hbm>>
        %dma_start3A_126 = arith.constant 700 : i32
        %dma_start3A_127 = arith.constant 0 : i32
        %dma_start3A_128 = tpu.memref_slice %arg7[%dma_start3A_126, %dma_start3A_127] : memref<800x64xf32, #tpu.memory_space<vmem>> -> memref<50x64xf32, #tpu.memory_space<vmem>>
        tpu.enqueue_dma source(%dma_start3A_128 : memref<50x64xf32, #tpu.memory_space<vmem>>) target(%dma_start3A_125 : memref<50x64xf32, #tpu.memory_space<hbm>>) target_semaphore(%run_scoped3A : memref<!tpu.dma_semaphore, #tpu.memory_space<semaphore_mem>>)
        %dma_wait3A_129 = arith.constant 700 : i32
        %dma_wait3A_130 = arith.constant 0 : i32
        %dma_wait3A_131 = tpu.memref_slice %arg7[%dma_wait3A_129, %dma_wait3A_130] : memref<800x64xf32, #tpu.memory_space<vmem>> -> memref<50x64xf32, #tpu.memory_space<vmem>>
        %dma_wait3A_132 = arith.constant 0 : i32
        %dma_wait3A_133 = arith.constant 0 : i32
        %dma_wait3A_134 = tpu.memref_slice %arg4[%add3A_112, %dma_wait3A_132, %dma_wait3A_133] : memref<16384x50x64xf32, #tpu.memory_space<hbm>> -> memref<1x50x64xf32, #tpu.memory_space<hbm>>
        %dma_wait3A_135 = tpu.memref_squeeze %dma_wait3A_134 : memref<1x50x64xf32, #tpu.memory_space<hbm>> -> memref<50x64xf32, #tpu.memory_space<hbm>>
        %dma_wait3A_136 = arith.constant 0 : i32
        %dma_wait3A_137 = arith.constant 0 : i32
        %dma_wait3A_138 = tpu.memref_slice %arg4[%add3A_112, %dma_wait3A_136, %dma_wait3A_137] : memref<16384x50x64xf32, #tpu.memory_space<hbm>> -> memref<1x50x64xf32, #tpu.memory_space<hbm>>
        %dma_wait3A_139 = tpu.memref_squeeze %dma_wait3A_138 : memref<1x50x64xf32, #tpu.memory_space<hbm>> -> memref<50x64xf32, #tpu.memory_space<hbm>>
        %dma_wait3A_140 = arith.constant 700 : i32
        %dma_wait3A_141 = arith.constant 0 : i32
        %dma_wait3A_142 = tpu.memref_slice %arg7[%dma_wait3A_140, %dma_wait3A_141] : memref<800x64xf32, #tpu.memory_space<vmem>> -> memref<50x64xf32, #tpu.memory_space<vmem>>
        tpu.wait_dma2 semaphore(%run_scoped3A : memref<!tpu.dma_semaphore, #tpu.memory_space<semaphore_mem>>) src(%dma_wait3A_142 : memref<50x64xf32, #tpu.memory_space<vmem>>) dst(%dma_wait3A_139 : memref<50x64xf32, #tpu.memory_space<hbm>>)
        tpu.yield
      }) : () -> ()
      %add3A_113 = arith.constant 15 : i32
      %add3A_114 = arith.addi %add3A_82, %add3A_113 : i32
      "tpu.region"() ({
        %run_scoped3A = tpu.sem_alloc : memref<!tpu.dma_semaphore, #tpu.memory_space<semaphore_mem>>
        %dma_start3A_115 = arith.constant 750 : i32
        %dma_start3A_116 = arith.constant 0 : i32
        %dma_start3A_117 = tpu.memref_slice %arg7[%dma_start3A_115, %dma_start3A_116] : memref<800x64xf32, #tpu.memory_space<vmem>> -> memref<50x64xf32, #tpu.memory_space<vmem>>
        %dma_start3A_118 = arith.constant 0 : i32
        %dma_start3A_119 = arith.constant 0 : i32
        %dma_start3A_120 = tpu.memref_slice %arg4[%add3A_114, %dma_start3A_118, %dma_start3A_119] : memref<16384x50x64xf32, #tpu.memory_space<hbm>> -> memref<1x50x64xf32, #tpu.memory_space<hbm>>
        %dma_start3A_121 = tpu.memref_squeeze %dma_start3A_120 : memref<1x50x64xf32, #tpu.memory_space<hbm>> -> memref<50x64xf32, #tpu.memory_space<hbm>>
        %dma_start3A_122 = arith.constant 0 : i32
        %dma_start3A_123 = arith.constant 0 : i32
        %dma_start3A_124 = tpu.memref_slice %arg4[%add3A_114, %dma_start3A_122, %dma_start3A_123] : memref<16384x50x64xf32, #tpu.memory_space<hbm>> -> memref<1x50x64xf32, #tpu.memory_space<hbm>>
        %dma_start3A_125 = tpu.memref_squeeze %dma_start3A_124 : memref<1x50x64xf32, #tpu.memory_space<hbm>> -> memref<50x64xf32, #tpu.memory_space<hbm>>
        %dma_start3A_126 = arith.constant 750 : i32
        %dma_start3A_127 = arith.constant 0 : i32
        %dma_start3A_128 = tpu.memref_slice %arg7[%dma_start3A_126, %dma_start3A_127] : memref<800x64xf32, #tpu.memory_space<vmem>> -> memref<50x64xf32, #tpu.memory_space<vmem>>
        tpu.enqueue_dma source(%dma_start3A_128 : memref<50x64xf32, #tpu.memory_space<vmem>>) target(%dma_start3A_125 : memref<50x64xf32, #tpu.memory_space<hbm>>) target_semaphore(%run_scoped3A : memref<!tpu.dma_semaphore, #tpu.memory_space<semaphore_mem>>)
        %dma_wait3A_129 = arith.constant 750 : i32
        %dma_wait3A_130 = arith.constant 0 : i32
        %dma_wait3A_131 = tpu.memref_slice %arg7[%dma_wait3A_129, %dma_wait3A_130] : memref<800x64xf32, #tpu.memory_space<vmem>> -> memref<50x64xf32, #tpu.memory_space<vmem>>
        %dma_wait3A_132 = arith.constant 0 : i32
        %dma_wait3A_133 = arith.constant 0 : i32
        %dma_wait3A_134 = tpu.memref_slice %arg4[%add3A_114, %dma_wait3A_132, %dma_wait3A_133] : memref<16384x50x64xf32, #tpu.memory_space<hbm>> -> memref<1x50x64xf32, #tpu.memory_space<hbm>>
        %dma_wait3A_135 = tpu.memref_squeeze %dma_wait3A_134 : memref<1x50x64xf32, #tpu.memory_space<hbm>> -> memref<50x64xf32, #tpu.memory_space<hbm>>
        %dma_wait3A_136 = arith.constant 0 : i32
        %dma_wait3A_137 = arith.constant 0 : i32
        %dma_wait3A_138 = tpu.memref_slice %arg4[%add3A_114, %dma_wait3A_136, %dma_wait3A_137] : memref<16384x50x64xf32, #tpu.memory_space<hbm>> -> memref<1x50x64xf32, #tpu.memory_space<hbm>>
        %dma_wait3A_139 = tpu.memref_squeeze %dma_wait3A_138 : memref<1x50x64xf32, #tpu.memory_space<hbm>> -> memref<50x64xf32, #tpu.memory_space<hbm>>
        %dma_wait3A_140 = arith.constant 750 : i32
        %dma_wait3A_141 = arith.constant 0 : i32
        %dma_wait3A_142 = tpu.memref_slice %arg7[%dma_wait3A_140, %dma_wait3A_141] : memref<800x64xf32, #tpu.memory_space<vmem>> -> memref<50x64xf32, #tpu.memory_space<vmem>>
        tpu.wait_dma2 semaphore(%run_scoped3A : memref<!tpu.dma_semaphore, #tpu.memory_space<semaphore_mem>>) src(%dma_wait3A_142 : memref<50x64xf32, #tpu.memory_space<vmem>>) dst(%dma_wait3A_139 : memref<50x64xf32, #tpu.memory_space<hbm>>)
        tpu.yield
      }) : () -> ()
    }
    %scan3A_12 = arith.constant 16 : i32
    return
  }
}

</mosaic_0001>

<sc_bundles>
// kernel: _gather.3.cloned.1.call-start
scs
__scs_entry_jumppad:
0x0: {  	(pc) =	sbr.rel $0x88, $3  }
0x1: {  	(tag) =	ssettag $0x0;
	lr =	simm.s32 $0x1  }
0x2: {  	[smem:$0x3F9F] =	sst lr;
	_ =	strace $0xD0000000  }
0x3: {  	_ = 	snop  }
0x4: {  	_ = 	snop  }
0x5: {  	_ = 	snop  }
0x6: {  	_ = 	snop  }
0x7: {  	_ = 	snop  }
__scs_overlays_trampoline_lowered:
0x8: {  	[smem:$0x3FAE] =	sst s0  }
0x9: {  	[smem:$0x3FAF] =	sst s1  }
0xa: {  	[smem:$0x3FB0] =	sst s2  }
0xb: {  	[smem:$0x3FB1] =	sst s3  }
0xc: {  	[smem:$0x3FB2] =	sst s4  }
0xd: {  	[smem:$0x3FB3] =	sst s5  }
0xe: {  	[smem:$0x3FB4] =	sst s6  }
0xf: {  	[smem:$0x3FB5] =	sst s7  }
0x10: {  	[smem:$0x3FB6] =	sst s8  }
0x11: {  	[smem:$0x3FB7] =	sst s9;
	s0 =	simm.s32 @!p0 $0x0  }
0x12: {  	s1 =	sld [smem:$0x3F9D];
	s0 =	simm.s32 @p0 $0x1  }
0x13: {  	[smem:$0x3FB8] =	sst s0;
	s0 =	simm.s32 @!p1 $0x0  }
0x14: {  	s2 =	sld [smem:$0x3F9C];
	s0 =	simm.s32 @p1 $0x1  }
0x15: {  	[smem:$0x3FB9] =	sst s0;
	s0 =	simm.s32 @!p2 $0x0  }
0x16: {  	s3 =	sld [smem:$0x3FDB];
	s0 =	simm.s32 @p2 $0x1  }
0x17: {  	s4 =	simm.s32 $0x1BF5;
	[smem:$0x3FBB] =	sst s0  }
0x18: {  	s0 =	sld [smem:$0x3F9E];
	_ =	swait.ge [sflag:s4], $0x0  }
0x19: {  	s7 =	sld [smem:$0x3F9F]  }
0x1a: {  	s8 =	sadd.s32 $0xFFFFE003, lr  }
0x1b: {  	s9 =	sadd.s32 $0xFFFFFEF7, lr;
	s5 =	simm.s32 $0xFFFFFFFF;
	p2 =	slt.u32 s8, $0xFFFFF086  }
0x1c: {  	p1 =	slt.u32 s9, $0xF7A;
	s5 =	simm.s32 @!p2 $0x0  }
0x1d: {  	s5 =	simm.s32 @p1 $0x1;
	p0 =	seq.s32 s7, s2  }
0x1e: {  	s7 =	smul.u32 @!p0 $0xF7A, s2;
	p2 =	seq.s32 @!p0 s5, $0x0  }
0x1f: {  	s9 =	smul.u32 $0xF7A, s1;
	s8 =	simm.s32 @!p0 $0x1BF5;
	p2 =	por !p2, p0  }
0x20: {  	[sflag:s8] =	ssyncset.s32 @!p0 $0xFFFFF086;
	s6 =	sadd.s32 @!p0 s3, s7;
	s7 =	simm.s32 @!p0 $0x108  }
0x21: {  	s3 =	sadd.s32 s3, s9;
	s6 =	sadd.s32 @!p0 $0x88, s6;
	s7 =	simm.s32 @p2 $0x1082  }
0x22: {  	[simem:s7], [sflag:s8] =	dma.local @!p0 [hbm:s6], $0xF7A  }
0x23: {  	s9 =	sor.u32 $0xD0000000, s2;
	s6 =	simm.s32 $0x108;
	_ =	swait.ge @!p0 [sflag:s8], $0x0  }
0x24: {  	s3 =	sadd.s32 $0x88, s3;
	s6 =	simm.s32 @!p1 $0x1082;
	[sflag:s4] =	ssyncset.s32 $0xFFFFF086  }
0x25: {  	[simem:s6], [sflag:s4] =	dma.local [hbm:s3], $0xF7A  }
0x26: {  	[smem:$0x3F9F] =	sst s1;
	(tag) =	ssettag s2;
	_ =	strace s9  }
0x27: {  	s1 =	sld [smem:$0x3FAF]  }
0x28: {  	s2 =	sld [smem:$0x3FB0]  }
0x29: {  	s4 =	sld [smem:$0x3FB2]  }
0x2a: {  	p0 =	seq.s32 s5, $0x0;
	s5 =	sld [smem:$0x3FB3]  }
0x2b: {  	s6 =	sld [smem:$0x3FB4]  }
0x2c: {  	s7 =	sld [smem:$0x3FB5]  }
0x2d: {  	s3 =	simm.s32 $0x108;
	s8 =	sld [smem:$0x3FB6]  }
0x2e: {  	s3 =	simm.s32 @!p0 $0x1082;
	s9 =	sld [smem:$0x3FB7]  }
0x2f: {  	lr =	sadd.s32 s0, s3;
	s0 =	sld [smem:$0x3FAE]  }
0x30: {  	s3 =	sld [smem:$0x3FB1]  }
0x31: {  	[smem:$0x3FBA] =	sst s10  }
0x32: {  	s10 =	sld [smem:$0x3FB8];
	_ =	sdelay $0x3  }
0x33: {  	p0 =	seq.s32 s10, $0x1;
	s10 =	sld [smem:$0x3FBA];
	_ =	sdelay $0x3  }
0x34: {  	[smem:$0x3FBA] =	sst s10  }
0x35: {  	s10 =	sld [smem:$0x3FB9];
	_ =	sdelay $0x3  }
0x36: {  	p1 =	seq.s32 s10, $0x1;
	s10 =	sld [smem:$0x3FBA];
	_ =	sdelay $0x3  }
0x37: {  	[smem:$0x3FBA] =	sst s10  }
0x38: {  	s10 =	sld [smem:$0x3FBB]  }
0x39: {  	_ = 	snop;
	(pc) =	sbr.ind lr, $3  }
0x3a: {  	_ = 	snop  }
0x3b: {  	_ = 	snop  }
0x3c: {  	p2 =	seq.s32 s10, $0x1;
	s10 =	sld [smem:$0x3FBA]  }
0x3d: {  	_ =	shalt  }
0x3e: {  	_ =	shalt  }
0x3f: {  	_ =	shalt  }
0x40: {  	_ =	shalt  }
0x41: {  	_ =	shalt  }
0x42: {  	_ =	shalt  }
0x43: {  	_ =	shalt  }
0x44: {  	_ =	shalt  }
0x45: {  	_ =	shalt  }
0x46: {  	_ =	shalt  }
0x47: {  	_ =	shalt  }
0x48: {  	_ =	shalt  }
0x49: {  	_ =	shalt  }
0x4a: {  	_ =	shalt  }
0x4b: {  	_ =	shalt  }
0x4c: {  	_ =	shalt  }
0x4d: {  	_ =	shalt  }
0x4e: {  	_ =	shalt  }
0x4f: {  	_ =	shalt  }
0x50: {  	_ =	shalt  }
0x51: {  	_ =	shalt  }
0x52: {  	_ =	shalt  }
0x53: {  	_ =	shalt  }
0x54: {  	_ =	shalt  }
0x55: {  	_ =	shalt  }
0x56: {  	_ =	shalt  }
0x57: {  	_ =	shalt  }
0x58: {  	_ =	shalt  }
0x59: {  	_ =	shalt  }
0x5a: {  	_ =	shalt  }
0x5b: {  	_ =	shalt  }
0x5c: {  	_ =	shalt  }
0x5d: {  	_ =	shalt  }
0x5e: {  	_ =	shalt  }
0x5f: {  	_ =	shalt  }
0x60: {  	_ =	shalt  }
0x61: {  	_ =	shalt  }
0x62: {  	_ =	shalt  }
0x63: {  	_ =	shalt  }
0x64: {  	_ =	shalt  }
0x65: {  	_ =	shalt  }
0x66: {  	_ =	shalt  }
0x67: {  	_ =	shalt  }
0x68: {  	_ =	shalt  }
0x69: {  	_ =	shalt  }
0x6a: {  	_ =	shalt  }
0x6b: {  	_ =	shalt  }
0x6c: {  	_ =	shalt  }
0x6d: {  	_ =	shalt  }
0x6e: {  	_ =	shalt  }
0x6f: {  	_ =	shalt  }
0x70: {  	_ =	shalt  }
0x71: {  	_ =	shalt  }
0x72: {  	_ =	shalt  }
0x73: {  	_ =	shalt  }
0x74: {  	_ =	shalt  }
0x75: {  	_ =	shalt  }
0x76: {  	_ =	shalt  }
0x77: {  	_ =	shalt  }
0x78: {  	_ =	shalt  }
0x79: {  	_ =	shalt  }
0x7a: {  	_ =	shalt  }
0x7b: {  	_ =	shalt  }
0x7c: {  	_ =	shalt  }
0x7d: {  	_ =	shalt  }
0x7e: {  	_ =	shalt  }
0x7f: {  	_ =	shalt  }
0x80: {  	_ =	shalt  }
0x81: {  	_ =	shalt  }
0x82: {  	_ =	shalt  }
0x83: {  	_ =	shalt  }
0x84: {  	_ =	shalt  }
0x85: {  	_ =	shalt  }
0x86: {  	_ =	shalt  }
0x87: {  	_ =	shalt  }
.Lfunc_end0:
.L_simem_size_0:
called_computation.1_lowered:
.L_overlay_start_0:
0x88: {  	s2 =	sld [smem:$0x3FD9]  }
0x89: {  	s3 =	sld [smem:$0x3FFE];
	_ =	sdelay $0x1  }
0x8a: {  	s1 =	srdreg.scid  }
0x8b: {  	s0 =	sand.u32 $0x1, s1  }
0x8c: {  	s17 =	sshll.u32 s0, $0xA;
	s2 =	sadd.s32 s3, s2  }
0x8d: {  	s2 =	sadd.s32 s2, s17  }
0x8e: {  	[smem:$0x3FC6] =	sst s2  }
0x8f: {  	_ = 	snop  }
0x90: {  	s2 =	sld [smem:$0x3FC8]  }
0x91: {  	s18 =	sld [smem:$0x3FD0];
	(tm) =	ssettm $0x1  }
0x92: {  	s4 =	sld [smem:$0x3FFB];
	_ =	sdelay $0x3  }
0x93: {  	_ =	strace s4  }
0x94: {  	s4 =	sld [smem:$0x3FFC];
	_ =	sdelay $0x3  }
0x95: {  	_ =	strace s4  }
0x96: {  	s4 =	sld [smem:$0x3FFD];
	_ =	sdelay $0x3  }
0x97: {  	_ =	strace s4  }
0x98: {  	_ =	strace $0x8FFFFFFF  }
0x99: {  	s19 =	sld [smem:$0x3FDB];
	_ =	sdelay $0x1  }
0x9a: {  	s5 =	simm.s32 $_scs_section_size  }
0x9b: {  	s6 =	simm.s32 $_size__tile_overlayer_lowered;
	s7 =	simm.s32 $_tile_overlayer_lowered  }
0x9c: {  	s22 =	simm.s32 $0x1BFF;
	s21 =	sshll.u32 s7, $0x1;
	s4 =	sadd.s32 s5, s19  }
0x9d: {  	s8 =	simm.s32 $0x0;
	s20 =	sshll.u32 s6, $0x1;
	s6 =	sadd.s32 s21, s4  }
0x9e: {  	[timem:s8], [sflag:s22] =	dma.local [hbm:s6], s20  }
0x9f: {  	_ =	swait.ge [sflag:s22], s20  }
0xa0: {  	s5 =	ssub.s32 $0x0, s20;
	[sflag:s22] =	ssyncset.done $0x0  }
0xa1: {  	[sflag:s22] =	ssyncadd.s32 s5;
	_ =	sdelay $0x1  }
0xa2: {  	s23 =	simm.s32 $0x1B8B  }
0xa3: {  	_ =	swait.ge [sflag:s23], $0x1  }
0xa4: {  	[sflag:s23] =	ssyncset.done $0x0  }
0xa5: {  	s25 =	simm.s32 $0x1B8E;
	s24 =	sld [smem:$0x3FFE];
	[sflag:s23] =	ssyncadd.s32 $0xFFFFFFFF  }
0xa6: {  	s26 =	simm.s32 $execute0_lowered;
	[smem:$0x3FD2] =	sst s25  }
0xa7: {  	s6 =	sshll.u32 s26, $0x1;
	_ =	strace $0x80000046;
	[dreg:$0x1] =	wrdreg $0xFFFFFFFF  }
0xa8: {  	s28 =	simm.s32 $_size_execute0_lowered;
	s4 =	sadd.s32 s4, s6;
	[dreg:$0x0] =	wrdreg $0x0  }
0xa9: {  	s6 =	sshll.u32 s28, $0x1;
	[dreg:$0x2] =	wrdreg s4  }
0xaa: {  	[dreg:$0x3] =	wrdreg s6  }
0xab: {  	[dreg:$0x4] =	wrdreg $0xC0  }
0xac: {  	_ =	task [dreg:s8], $0x5FFFF  }
0xad: {  	[dreg:$0x1] =	wrdreg $0xFFFFFFFF  }
0xae: {  	[dreg:$0x0] =	wrdreg $0x60  }
0xaf: {  	[dreg:$0x2] =	wrdreg s24  }
0xb0: {  	[dreg:$0x3] =	wrdreg s2  }
0xb1: {  	[dreg:$0x4] =	wrdreg s18  }
0xb2: {  	[dreg:$0x5] =	wrdreg $0x9  }
0xb3: {  	_ =	task.clear_ibuf [dreg:s8], $0x6FFFF;
	_ =	strace $0x90000046  }
0xb4: {  	s29 =	simm.s32 $0x9;
	_ =	strace $0x80000048  }
0xb5: {  	_ =	swait.ge [sflag:s29], $0x1  }
0xb6: {  	[sflag:s29] =	ssyncadd.s32 $0xFFFFFFFF  }
0xb7: {  	_ =	strace $0x90000048  }
0xb8: {  	_ =	sfence  }
0xb9: {  	s30 =	sld [smem:$0x0];
	_ =	sdelay $0x2  }
0xba: {  	s31 =	sshll.u32 s1, $0xD;
	s1 =	sshrl.u32 s1, $0x2  }
0xbb: {  	s3 =	sand.u32 $0x4000, s31;
	s1 =	sadd.s32 s1, s30  }
0xbc: {  	s0 =	sor.u32 s3, s0;
	s1 =	sshll.u32 s1, $0x11  }
0xbd: {  	s0 =	sor.u32 s1, s0  }
0xbe: {  	s0 =	sadd.s32 $0x8F2B, s0  }
0xbf: {  	[sflag:s0] =	ssyncadd.remote.s32 $0x1  }
0xc0: {  	_ =	sfence.sel $0xFFFF  }
0xc1: {  	[dreg:$0x0] =	wrdreg $0xFFFFFFFF;
	(pc) =	sbr.abs _section_cstart, $3  }
0xc2: {  	[dreg:$0x1] =	wrdreg $0xFFFFFFFF  }
0xc3: {  	_ =	task.clear_ibuf [dreg:s8], $0x2FFFF;
	_ =	strace $0x9FFFFFFF  }
0xc4: {  	(tm) =	ssettm $0x7FFFFFFF  }
0xc5: {  	_ =	shalt  }
tec
execute0_lowered:
.L_overlay_start_1:
0x0: {  	(tag) =	ssettag $0x1  }
0x1: {  	s1 =	srdreg.scid;
	s0 =	stileid.u32  }
0x2: {  	s3 =	rddreg [dreg:$0x0];
	s5 =	sand.u32 $0x1, s1;
	s7 =	smul.u32 $0x320000, s0  }
0x3: {  	s4 =	rddreg [dreg:$0x1];
	s8 =	smul.u32 $0x190000, s5  }
0x4: {  	s6 =	rddreg [dreg:$0x2];
	s2 =	simm.s32 $0x0  }
0x5: {  	[smem:$0x7FF] =	sst s2;
	s7 =	sadd.s32 s8, s7  }
0x6: {  	s1 =	rddreg [dreg:$0x3];
	_ =	strace $0x80000047;
	s8 =	sor.u32 $0xBB80, s7  }
0x7: {  	s9 =	sor.u32 $0xAF00, s7;
	s10 =	sor.u32 $0xA280, s7;
	s28 =	sor.u32 $0x9600, s7  }
0x8: {  	s30 =	sor.u32 $0x8980, s7;
	s31 =	sor.u32 $0x7D00, s7;
	s14 =	sor.u32 $0x7080, s7  }
0x9: {  	s16 =	sor.u32 $0x6400, s7;
	s17 =	sor.u32 $0x5780, s7;
	s21 =	sor.u32 $0x4B00, s7  }
0xa: {  	s23 =	sor.u32 $0x3E80, s7;
	s8 =	sshrl.u32 s8, $0x3;
	s9 =	sshrl.u32 s9, $0x3  }
0xb: {  	s25 =	sshrl.u32 s10, $0x3;
	s29 =	sshrl.u32 s28, $0x3;
	s12 =	sshrl.u32 s31, $0x3  }
0xc: {  	s15 =	sshrl.u32 s14, $0x3;
	s19 =	sshrl.u32 s17, $0x3;
	s22 =	sshrl.u32 s21, $0x3  }
0xd: {  	s31 =	smul.u32 $0x64000, s0;
	s8 =	sadd.s32 s8, s6;
	s24 =	sadd.s32 s9, s6  }
0xe: {  	s26 =	sadd.s32 s25, s6;
	s9 =	sshrl.u32 s30, $0x3;
	[dreg:$0x4] =	wrdreg s8  }
0xf: {  	s13 =	sadd.s32 s12, s6;
	s20 =	sadd.s32 s19, s6;
	[dreg:$0x5] =	wrdreg s24  }
0x10: {  	s30 =	sor.u32 $0x1900, s7;
	[dreg:$0x6] =	wrdreg s26;
	s8 =	sadd.s32 s29, s6  }
0x11: {  	s11 =	sadd.s32 s9, s6;
	[dreg:$0x9] =	wrdreg s13;
	s9 =	sshrl.u32 s16, $0x3  }
0x12: {  	[dreg:$0xc] =	wrdreg s20;
	s24 =	sor.u32 $0x3200, s7;
	s29 =	sor.u32 $0x2580, s7  }
0x13: {  	s10 =	sadd.s32 s31, s6;
	s16 =	sadd.s32 $0x16A80, s7;
	[dreg:$0x7] =	wrdreg s8  }
0x14: {  	s31 =	sadd.s32 $0x11F80, s7;
	[dreg:$0x8] =	wrdreg s11;
	s8 =	sadd.s32 s15, s6  }
0x15: {  	s18 =	sadd.s32 s9, s6;
	s9 =	sshrl.u32 s23, $0x3;
	[dreg:$0xa] =	wrdreg s8  }
0x16: {  	s26 =	sshrl.u32 s24, $0x3;
	[dreg:$0xb] =	wrdreg s18;
	s8 =	sadd.s32 s22, s6  }
0x17: {  	s11 =	smul.u32 $0x32000, s5;
	s25 =	sadd.s32 s9, s6;
	[dreg:$0xd] =	wrdreg s8  }
0x18: {  	s28 =	sadd.s32 s26, s6;
	s9 =	sshrl.u32 s30, $0x3;
	[dreg:$0xe] =	wrdreg s25  }
0x19: {  	s23 =	sadd.s32 $0x14500, s7;
	[dreg:$0xf] =	wrdreg s28;
	s9 =	sadd.s32 s9, s6  }
0x1a: {  	s18 =	sshrl.u32 s16, $0x3;
	s12 =	sadd.s32 s11, s10;
	[dreg:$0x11] =	wrdreg s9  }
0x1b: {  	s8 =	sshrl.u32 s29, $0x3;
	s19 =	sadd.s32 s18, s6;
	[dreg:$0x12] =	wrdreg s12  }
0x1c: {  	s25 =	sshrl.u32 s23, $0x3;
	s23 =	simm.s32 $0x7080;
	[dreg:$0x15] =	wrdreg s19  }
0x1d: {  	s10 =	sshrl.u32 s31, $0x3;
	s31 =	simm.s32 $0xC800;
	[smem:$0x7E0] =	sst s23  }
0x1e: {  	s8 =	sadd.s32 s8, s6;
	[smem:$0x7E7] =	sst s31  }
0x1f: {  	s26 =	sadd.s32 s25, s6;
	[dreg:$0x10] =	wrdreg s8  }
0x20: {  	s13 =	sadd.s32 $0x18380, s7;
	s11 =	sadd.s32 s10, s6;
	[dreg:$0x18] =	wrdreg s26  }
0x21: {  	s28 =	sadd.s32 $0x13880, s7;
	s25 =	simm.s32 $0x8980;
	[dreg:$0x1b] =	wrdreg s11  }
0x22: {  	s29 =	sshrl.u32 s28, $0x3;
	s28 =	simm.s32 $0xA280;
	[smem:$0x7E2] =	sst s25  }
0x23: {  	s20 =	sadd.s32 $0x15E00, s7;
	s10 =	simm.s32 $0xFA00;
	[smem:$0x7E4] =	sst s28  }
0x24: {  	s14 =	sshrl.u32 s13, $0x3;
	s23 =	simm.s32 $0x18380;
	[smem:$0x7EB] =	sst s10  }
0x25: {  	s15 =	sadd.s32 $0x17700, s7;
	s31 =	simm.s32 $0x1DB00;
	[smem:$0x7F5] =	sst s23  }
0x26: {  	s9 =	sshrl.u32 s15, $0x3;
	s8 =	sadd.s32 s14, s6;
	[smem:$0x7FC] =	sst s31  }
0x27: {  	s21 =	sshrl.u32 s20, $0x3;
	s17 =	sadd.s32 s9, s6;
	[dreg:$0x13] =	wrdreg s8  }
0x28: {  	s12 =	sadd.s32 $0x11300, s7;
	s26 =	simm.s32 $0x9600;
	[dreg:$0x14] =	wrdreg s17  }
0x29: {  	s19 =	sor.u32 $0xED80, s7;
	s11 =	simm.s32 $0x10680;
	[smem:$0x7E3] =	sst s26  }
0x2a: {  	s13 =	sshrl.u32 s12, $0x3;
	s12 =	simm.s32 $0x11300;
	[smem:$0x7EC] =	sst s11  }
0x2b: {  	s20 =	sshrl.u32 s19, $0x3;
	s19 =	simm.s32 $0x15E00;
	[smem:$0x7ED] =	sst s12  }
0x2c: {  	s22 =	sadd.s32 $0x15180, s7;
	s25 =	simm.s32 $0x19C80;
	[smem:$0x7F2] =	sst s19  }
0x2d: {  	s30 =	sadd.s32 $0x12C00, s7;
	s28 =	simm.s32 $0x1B580;
	[smem:$0x7F7] =	sst s25  }
0x2e: {  	s9 =	sshrl.u32 s22, $0x3;
	s8 =	sadd.s32 s21, s6;
	[smem:$0x7F9] =	sst s28  }
0x2f: {  	s15 =	sor.u32 $0xFA00, s7;
	s24 =	sadd.s32 s9, s6;
	[dreg:$0x16] =	wrdreg s8  }
0x30: {  	s9 =	sshrl.u32 s30, $0x3;
	s30 =	simm.s32 $0xBB80;
	[dreg:$0x17] =	wrdreg s24  }
0x31: {  	s17 =	sshrl.u32 s15, $0x3;
	s15 =	simm.s32 $0x14500;
	[smem:$0x7E6] =	sst s30  }
0x32: {  	s26 =	simm.s32 $0x1A900;
	[smem:$0x7F0] =	sst s15  }
0x33: {  	s12 =	simm.s32 $0x1E780;
	[smem:$0x7F8] =	sst s26  }
0x34: {  	s8 =	sadd.s32 s29, s6;
	[smem:$0x7FD] =	sst s12  }
0x35: {  	s9 =	sadd.s32 s9, s6;
	[dreg:$0x19] =	wrdreg s8  }
0x36: {  	s18 =	sadd.s32 s17, s6;
	[dreg:$0x1a] =	wrdreg s9  }
0x37: {  	s24 =	simm.s32 $0x7D00;
	[dreg:$0x1e] =	wrdreg s18  }
0x38: {  	s29 =	simm.s32 $0xAF00;
	[smem:$0x7E1] =	sst s24  }
0x39: {  	s17 =	simm.s32 $0x15180;
	[smem:$0x7E5] =	sst s29  }
0x3a: {  	s30 =	simm.s32 $0x1CE80;
	[smem:$0x7F1] =	sst s17  }
0x3b: {  	s3 =	sadd.s32 $0xF42C00, s3;
	s8 =	sadd.s32 s13, s6;
	[smem:$0x7FB] =	sst s30  }
0x3c: {  	s14 =	sadd.s32 $0x10680, s7;
	s13 =	simm.s32 $0x11F80;
	[dreg:$0x1c] =	wrdreg s8  }
0x3d: {  	s9 =	sshrl.u32 s14, $0x3;
	s14 =	simm.s32 $0x13880;
	[smem:$0x7EE] =	sst s13  }
0x3e: {  	s10 =	simm.s32 $0x12C00;
	s24 =	simm.s32 $0x19000;
	[smem:$0x7EF] =	sst s14  }
0x3f: {  	s21 =	sor.u32 $0xE100, s7;
	s29 =	simm.s32 $0x1C200;
	[smem:$0x7F6] =	sst s24  }
0x40: {  	s7 =	sor.u32 $0xD480, s7;
	s16 =	sadd.s32 s9, s6;
	[smem:$0x7FA] =	sst s29  }
0x41: {  	s11 =	simm.s32 $0x2;
	s8 =	sadd.s32 s20, s6;
	[dreg:$0x1d] =	wrdreg s16  }
0x42: {  	s9 =	sshrl.u32 s21, $0x3;
	s21 =	simm.s32 $0x16A80;
	[dreg:$0x1f] =	wrdreg s8  }
0x43: {  	s7 =	sshrl.u32 s7, $0x3;
	s22 =	sadd.s32 s9, s6;
	[smem:$0x7F3] =	sst s21  }
0x44: {  	s12 =	simm.s32 $0x0;
	s6 =	sadd.s32 s7, s6;
	[smem:$0x7DE] =	sst s22  }
0x45: {  	s20 =	sshll.u32 s0, $0x1;
	s7 =	simm.s32 $0xD480;
	[smem:$0x7DF] =	sst s6  }
0x46: {  	s8 =	simm.s32 $0xE100;
	s9 =	simm.s32 $0xED80;
	[smem:$0x7E8] =	sst s7  }
0x47: {  	s16 =	ssub.s32 $0x2, s5;
	s5 =	sor.u32 s5, s20;
	[smem:$0x7E9] =	sst s8  }
0x48: {  	[smem:$0x7EA] =	sst s9;
	s18 =	sshrl.u32 s16, $0x1;
	s22 =	simm.s32 $0x17700  }
0x49: {  	s5 =	smul.u32 $0xC80, s5;
	s6 =	simm.s32 $0x3;
	s8 =	simm.s32 $0x6400  }
0x4a: {  	s9 =	simm.s32 $0x1;
	[smem:$0x7F4] =	sst s22;
	s7 =	ssub.s32 s16, s18  }
0x4b: {  	s4 =	sadd.s32 s4, s5;
	s5 =	smax.u32 s7, $0x1;
	s7 =	simm.s32 $0x320  }
.LBB2_1:
0x4c: {  	[tilespmem:s2], [sflag:$0x3] =	stream.linear.gather [hbm4b:s4+s2], $0x6400, $0x38;
	[tilespmem:$0x1F400] =	vst v63  }
0x4d: {  	_ =	swait.ge [sflag:s6], $0x6400  }
0x4e: {  	[sflag:s6] =	ssyncset.done $0x0  }
0x4f: {  	[sflag:s6] =	ssyncadd.s32 $0xFFFF9C00  }
0x50: {  	[tilespmem:s8], [sflag:$0x1] =	stream.indirect.gather [hbm4b:s3+s7], $0x40, s2, s7, $0xb8;
	[tilespmem:$0x1F400] =	vst v63  }
0x51: {  	_ =	swait.ge [sflag:s9], $0xC800  }
0x52: {  	[sflag:s9] =	ssyncset.done $0x0  }
0x53: {  	s14 =	simm.s32 $0x320;
	s13 =	rddreg [dreg:$0x12];
	[sflag:s9] =	ssyncadd.s32 $0xFFFF3800  }
0x54: {  	[tilespmem:s10], [sflag:$0x2] =	stream.indirect.gather [hbm4b:s3+s7], $0x40, s14, s7, $0xb8;
	[tilespmem:$0x1F400] =	vst v63  }
0x55: {  	s14 =	sadd.s32 $0x0, s13  }
0x56: {  	[hbm4b:s14+s2] =	stream.linear.scatter [tilespmem:s8], [sflag:$0x3], $0xC80, $0x38;
	[tilespmem:$0x1F400] =	vst v63  }
0x57: {  	_ =	swait.ge [sflag:s6], $0xC80  }
0x58: {  	s20 =	sld [smem:$0x7E0]  }
0x59: {  	[sflag:s6] =	ssyncset.done $0x0  }
0x5a: {  	s15 =	sadd.s32 $0x190, s14;
	[sflag:s6] =	ssyncadd.s32 $0xFFFFF380  }
0x5b: {  	[hbm4b:s15+s2] =	stream.linear.scatter [tilespmem:s20], [sflag:$0x3], $0xC80, $0x38;
	[tilespmem:$0x1F400] =	vst v63  }
0x5c: {  	_ =	swait.ge [sflag:s6], $0xC80  }
0x5d: {  	s22 =	sld [smem:$0x7E1]  }
0x5e: {  	s21 =	rddreg [dreg:$0x11];
	[sflag:s6] =	ssyncset.done $0x0  }
0x5f: {  	[sflag:s6] =	ssyncadd.s32 $0xFFFFF380;
	s13 =	sadd.s32 $0x0, s21  }
0x60: {  	[hbm4b:s13+s2] =	stream.linear.scatter [tilespmem:s22], [sflag:$0x3], $0xC80, $0x38;
	[tilespmem:$0x1F400] =	vst v63  }
0x61: {  	_ =	swait.ge [sflag:s6], $0xC80  }
0x62: {  	s24 =	sld [smem:$0x7E2]  }
0x63: {  	s23 =	rddreg [dreg:$0x10];
	[sflag:s6] =	ssyncset.done $0x0  }
0x64: {  	[sflag:s6] =	ssyncadd.s32 $0xFFFFF380;
	s13 =	sadd.s32 $0x0, s23  }
0x65: {  	[hbm4b:s13+s2] =	stream.linear.scatter [tilespmem:s24], [sflag:$0x3], $0xC80, $0x38;
	[tilespmem:$0x1F400] =	vst v63  }
0x66: {  	_ =	swait.ge [sflag:s6], $0xC80  }
0x67: {  	s26 =	sld [smem:$0x7E3]  }
0x68: {  	s25 =	rddreg [dreg:$0xf];
	[sflag:s6] =	ssyncset.done $0x0  }
0x69: {  	[sflag:s6] =	ssyncadd.s32 $0xFFFFF380;
	s13 =	sadd.s32 $0x0, s25  }
0x6a: {  	[hbm4b:s13+s2] =	stream.linear.scatter [tilespmem:s26], [sflag:$0x3], $0xC80, $0x38;
	[tilespmem:$0x1F400] =	vst v63  }
0x6b: {  	_ =	swait.ge [sflag:s6], $0xC80  }
0x6c: {  	s29 =	sld [smem:$0x7E4]  }
0x6d: {  	s28 =	rddreg [dreg:$0xe];
	[sflag:s6] =	ssyncset.done $0x0  }
0x6e: {  	[sflag:s6] =	ssyncadd.s32 $0xFFFFF380;
	s13 =	sadd.s32 $0x0, s28  }
0x6f: {  	[hbm4b:s13+s2] =	stream.linear.scatter [tilespmem:s29], [sflag:$0x3], $0xC80, $0x38;
	[tilespmem:$0x1F400] =	vst v63  }
0x70: {  	_ =	swait.ge [sflag:s6], $0xC80  }
0x71: {  	s31 =	sld [smem:$0x7E5]  }
0x72: {  	s30 =	rddreg [dreg:$0xd];
	[sflag:s6] =	ssyncset.done $0x0  }
0x73: {  	[sflag:s6] =	ssyncadd.s32 $0xFFFFF380;
	s13 =	sadd.s32 $0x0, s30  }
0x74: {  	[hbm4b:s13+s2] =	stream.linear.scatter [tilespmem:s31], [sflag:$0x3], $0xC80, $0x38;
	[tilespmem:$0x1F400] =	vst v63  }
0x75: {  	_ =	swait.ge [sflag:s6], $0xC80  }
0x76: {  	s16 =	sld [smem:$0x7E6]  }
0x77: {  	s15 =	rddreg [dreg:$0xc];
	[sflag:s6] =	ssyncset.done $0x0  }
0x78: {  	[sflag:s6] =	ssyncadd.s32 $0xFFFFF380;
	s13 =	sadd.s32 $0x0, s15  }
0x79: {  	[hbm4b:s13+s2] =	stream.linear.scatter [tilespmem:s16], [sflag:$0x3], $0xC80, $0x38;
	[tilespmem:$0x1F400] =	vst v63  }
0x7a: {  	_ =	swait.ge [sflag:s6], $0xC80  }
0x7b: {  	s18 =	sld [smem:$0x7E7]  }
0x7c: {  	s17 =	rddreg [dreg:$0xb];
	[sflag:s6] =	ssyncset.done $0x0  }
0x7d: {  	[sflag:s6] =	ssyncadd.s32 $0xFFFFF380;
	s13 =	sadd.s32 $0x0, s17  }
0x7e: {  	[hbm4b:s13+s2] =	stream.linear.scatter [tilespmem:s18], [sflag:$0x3], $0xC80, $0x38;
	[tilespmem:$0x1F400] =	vst v63  }
0x7f: {  	_ =	swait.ge [sflag:s6], $0xC80  }
0x80: {  	s20 =	sld [smem:$0x7E8]  }
0x81: {  	s19 =	rddreg [dreg:$0xa];
	[sflag:s6] =	ssyncset.done $0x0  }
0x82: {  	[sflag:s6] =	ssyncadd.s32 $0xFFFFF380;
	s13 =	sadd.s32 $0x0, s19  }
0x83: {  	[hbm4b:s13+s2] =	stream.linear.scatter [tilespmem:s20], [sflag:$0x3], $0xC80, $0x38;
	[tilespmem:$0x1F400] =	vst v63  }
0x84: {  	_ =	swait.ge [sflag:s6], $0xC80  }
0x85: {  	s22 =	sld [smem:$0x7E9]  }
0x86: {  	s21 =	rddreg [dreg:$0x9];
	[sflag:s6] =	ssyncset.done $0x0  }
0x87: {  	[sflag:s6] =	ssyncadd.s32 $0xFFFFF380;
	s13 =	sadd.s32 $0x0, s21  }
0x88: {  	[hbm4b:s13+s2] =	stream.linear.scatter [tilespmem:s22], [sflag:$0x3], $0xC80, $0x38;
	[tilespmem:$0x1F400] =	vst v63  }
0x89: {  	_ =	swait.ge [sflag:s6], $0xC80  }
0x8a: {  	s24 =	sld [smem:$0x7EA]  }
0x8b: {  	s23 =	rddreg [dreg:$0x8];
	[sflag:s6] =	ssyncset.done $0x0  }
0x8c: {  	[sflag:s6] =	ssyncadd.s32 $0xFFFFF380;
	s13 =	sadd.s32 $0x0, s23  }
0x8d: {  	[hbm4b:s13+s2] =	stream.linear.scatter [tilespmem:s24], [sflag:$0x3], $0xC80, $0x38;
	[tilespmem:$0x1F400] =	vst v63  }
0x8e: {  	_ =	swait.ge [sflag:s6], $0xC80  }
0x8f: {  	s26 =	sld [smem:$0x7EB]  }
0x90: {  	s25 =	rddreg [dreg:$0x7];
	[sflag:s6] =	ssyncset.done $0x0  }
0x91: {  	[sflag:s6] =	ssyncadd.s32 $0xFFFFF380;
	s13 =	sadd.s32 $0x0, s25  }
0x92: {  	[hbm4b:s13+s2] =	stream.linear.scatter [tilespmem:s26], [sflag:$0x3], $0xC80, $0x38;
	[tilespmem:$0x1F400] =	vst v63  }
0x93: {  	_ =	swait.ge [sflag:s6], $0xC80  }
0x94: {  	s29 =	sld [smem:$0x7EC]  }
0x95: {  	s28 =	rddreg [dreg:$0x6];
	[sflag:s6] =	ssyncset.done $0x0  }
0x96: {  	[sflag:s6] =	ssyncadd.s32 $0xFFFFF380;
	s13 =	sadd.s32 $0x0, s28  }
0x97: {  	[hbm4b:s13+s2] =	stream.linear.scatter [tilespmem:s29], [sflag:$0x3], $0xC80, $0x38;
	[tilespmem:$0x1F400] =	vst v63  }
0x98: {  	_ =	swait.ge [sflag:s6], $0xC80  }
0x99: {  	s31 =	sld [smem:$0x7ED]  }
0x9a: {  	s30 =	rddreg [dreg:$0x5];
	[sflag:s6] =	ssyncset.done $0x0  }
0x9b: {  	[sflag:s6] =	ssyncadd.s32 $0xFFFFF380;
	s13 =	sadd.s32 $0x0, s30  }
0x9c: {  	[hbm4b:s13+s2] =	stream.linear.scatter [tilespmem:s31], [sflag:$0x3], $0xC80, $0x38;
	[tilespmem:$0x1F400] =	vst v63  }
0x9d: {  	_ =	swait.ge [sflag:s6], $0xC80  }
0x9e: {  	s16 =	sld [smem:$0x7EE]  }
0x9f: {  	s15 =	rddreg [dreg:$0x4];
	[sflag:s6] =	ssyncset.done $0x0  }
0xa0: {  	[sflag:s6] =	ssyncadd.s32 $0xFFFFF380;
	s13 =	sadd.s32 $0x0, s15  }
0xa1: {  	[hbm4b:s13+s2] =	stream.linear.scatter [tilespmem:s16], [sflag:$0x3], $0xC80, $0x38;
	[tilespmem:$0x1F400] =	vst v63  }
0xa2: {  	_ =	swait.ge [sflag:s6], $0xC80  }
0xa3: {  	[sflag:s6] =	ssyncset.done $0x0  }
0xa4: {  	[sflag:s6] =	ssyncadd.s32 $0xFFFFF380  }
0xa5: {  	p0 =	por $0x0, $0x0;
	_ =	swait.ge [sflag:s11], $0xC800  }
0xa6: {  	s15 =	simm.s32 @!p0 $0x320;
	[sflag:s11] =	ssyncset.done $0x0  }
0xa7: {  	s13 =	simm.s32 $0x640;
	s16 =	simm.s32 @!p0 $0x6400;
	[sflag:s11] =	ssyncadd.s32 $0xFFFF3800  }
0xa8: {  	[tilespmem:s16], [sflag:$0x1] =	stream.indirect.gather @!p0 [hbm4b:s3+s15], $0x40, s13, s15, $0xb8;
	[tilespmem:$0x1F400] =	vst v63  }
0xa9: {  	s14 =	sadd.s32 $0x1900, s14  }
0xaa: {  	[hbm4b:s14+s2] =	stream.linear.scatter [tilespmem:s10], [sflag:$0x3], $0xC80, $0x38;
	[tilespmem:$0x1F400] =	vst v63  }
0xab: {  	_ =	swait.ge [sflag:s6], $0xC80  }
0xac: {  	s17 =	sld [smem:$0x7DF]  }
0xad: {  	s18 =	sld [smem:$0x7EF]  }
0xae: {  	[sflag:s6] =	ssyncset.done $0x0  }
0xaf: {  	[sflag:s6] =	ssyncadd.s32 $0xFFFFF380;
	s14 =	sadd.s32 $0x0, s17  }
0xb0: {  	[hbm4b:s14+s2] =	stream.linear.scatter [tilespmem:s18], [sflag:$0x3], $0xC80, $0x38;
	[tilespmem:$0x1F400] =	vst v63  }
0xb1: {  	_ =	swait.ge [sflag:s6], $0xC80  }
0xb2: {  	s19 =	sld [smem:$0x7DE]  }
0xb3: {  	s20 =	sld [smem:$0x7F0]  }
0xb4: {  	[sflag:s6] =	ssyncset.done $0x0  }
0xb5: {  	[sflag:s6] =	ssyncadd.s32 $0xFFFFF380;
	s14 =	sadd.s32 $0x0, s19  }
0xb6: {  	[hbm4b:s14+s2] =	stream.linear.scatter [tilespmem:s20], [sflag:$0x3], $0xC80, $0x38;
	[tilespmem:$0x1F400] =	vst v63  }
0xb7: {  	_ =	swait.ge [sflag:s6], $0xC80  }
0xb8: {  	s22 =	sld [smem:$0x7F1]  }
0xb9: {  	s21 =	rddreg [dreg:$0x1f];
	[sflag:s6] =	ssyncset.done $0x0  }
0xba: {  	[sflag:s6] =	ssyncadd.s32 $0xFFFFF380;
	s14 =	sadd.s32 $0x0, s21  }
0xbb: {  	[hbm4b:s14+s2] =	stream.linear.scatter [tilespmem:s22], [sflag:$0x3], $0xC80, $0x38;
	[tilespmem:$0x1F400] =	vst v63  }
0xbc: {  	_ =	swait.ge [sflag:s6], $0xC80  }
0xbd: {  	s24 =	sld [smem:$0x7F2]  }
0xbe: {  	s23 =	rddreg [dreg:$0x1e];
	[sflag:s6] =	ssyncset.done $0x0  }
0xbf: {  	[sflag:s6] =	ssyncadd.s32 $0xFFFFF380;
	s14 =	sadd.s32 $0x0, s23  }
0xc0: {  	[hbm4b:s14+s2] =	stream.linear.scatter [tilespmem:s24], [sflag:$0x3], $0xC80, $0x38;
	[tilespmem:$0x1F400] =	vst v63  }
0xc1: {  	_ =	swait.ge [sflag:s6], $0xC80  }
0xc2: {  	s26 =	sld [smem:$0x7F3]  }
0xc3: {  	s25 =	rddreg [dreg:$0x1d];
	[sflag:s6] =	ssyncset.done $0x0  }
0xc4: {  	[sflag:s6] =	ssyncadd.s32 $0xFFFFF380;
	s14 =	sadd.s32 $0x0, s25  }
0xc5: {  	[hbm4b:s14+s2] =	stream.linear.scatter [tilespmem:s26], [sflag:$0x3], $0xC80, $0x38;
	[tilespmem:$0x1F400] =	vst v63  }
0xc6: {  	_ =	swait.ge [sflag:s6], $0xC80  }
0xc7: {  	s29 =	sld [smem:$0x7F4]  }
0xc8: {  	s28 =	rddreg [dreg:$0x1c];
	[sflag:s6] =	ssyncset.done $0x0  }
0xc9: {  	[sflag:s6] =	ssyncadd.s32 $0xFFFFF380;
	s14 =	sadd.s32 $0x0, s28  }
0xca: {  	[hbm4b:s14+s2] =	stream.linear.scatter [tilespmem:s29], [sflag:$0x3], $0xC80, $0x38;
	[tilespmem:$0x1F400] =	vst v63  }
0xcb: {  	_ =	swait.ge [sflag:s6], $0xC80  }
0xcc: {  	s31 =	sld [smem:$0x7F5]  }
0xcd: {  	s30 =	rddreg [dreg:$0x1b];
	[sflag:s6] =	ssyncset.done $0x0  }
0xce: {  	[sflag:s6] =	ssyncadd.s32 $0xFFFFF380;
	s14 =	sadd.s32 $0x0, s30  }
0xcf: {  	[hbm4b:s14+s2] =	stream.linear.scatter [tilespmem:s31], [sflag:$0x3], $0xC80, $0x38;
	[tilespmem:$0x1F400] =	vst v63  }
0xd0: {  	_ =	swait.ge [sflag:s6], $0xC80  }
0xd1: {  	s16 =	sld [smem:$0x7F6]  }
0xd2: {  	s15 =	rddreg [dreg:$0x1a];
	[sflag:s6] =	ssyncset.done $0x0  }
0xd3: {  	[sflag:s6] =	ssyncadd.s32 $0xFFFFF380;
	s14 =	sadd.s32 $0x0, s15  }
0xd4: {  	[hbm4b:s14+s2] =	stream.linear.scatter [tilespmem:s16], [sflag:$0x3], $0xC80, $0x38;
	[tilespmem:$0x1F400] =	vst v63  }
0xd5: {  	_ =	swait.ge [sflag:s6], $0xC80  }
0xd6: {  	s18 =	sld [smem:$0x7F7]  }
0xd7: {  	s17 =	rddreg [dreg:$0x19];
	[sflag:s6] =	ssyncset.done $0x0  }
0xd8: {  	[sflag:s6] =	ssyncadd.s32 $0xFFFFF380;
	s14 =	sadd.s32 $0x0, s17  }
0xd9: {  	[hbm4b:s14+s2] =	stream.linear.scatter [tilespmem:s18], [sflag:$0x3], $0xC80, $0x38;
	[tilespmem:$0x1F400] =	vst v63  }
0xda: {  	_ =	swait.ge [sflag:s6], $0xC80  }
0xdb: {  	s20 =	sld [smem:$0x7F8]  }
0xdc: {  	s19 =	rddreg [dreg:$0x18];
	[sflag:s6] =	ssyncset.done $0x0  }
0xdd: {  	[sflag:s6] =	ssyncadd.s32 $0xFFFFF380;
	s14 =	sadd.s32 $0x0, s19  }
0xde: {  	[hbm4b:s14+s2] =	stream.linear.scatter [tilespmem:s20], [sflag:$0x3], $0xC80, $0x38;
	[tilespmem:$0x1F400] =	vst v63  }
0xdf: {  	_ =	swait.ge [sflag:s6], $0xC80  }
0xe0: {  	s22 =	sld [smem:$0x7F9]  }
0xe1: {  	s21 =	rddreg [dreg:$0x17];
	[sflag:s6] =	ssyncset.done $0x0  }
0xe2: {  	[sflag:s6] =	ssyncadd.s32 $0xFFFFF380;
	s14 =	sadd.s32 $0x0, s21  }
0xe3: {  	[hbm4b:s14+s2] =	stream.linear.scatter [tilespmem:s22], [sflag:$0x3], $0xC80, $0x38;
	[tilespmem:$0x1F400] =	vst v63  }
0xe4: {  	_ =	swait.ge [sflag:s6], $0xC80  }
0xe5: {  	s24 =	sld [smem:$0x7FA]  }
0xe6: {  	s23 =	rddreg [dreg:$0x16];
	[sflag:s6] =	ssyncset.done $0x0  }
0xe7: {  	[sflag:s6] =	ssyncadd.s32 $0xFFFFF380;
	s14 =	sadd.s32 $0x0, s23  }
0xe8: {  	[hbm4b:s14+s2] =	stream.linear.scatter [tilespmem:s24], [sflag:$0x3], $0xC80, $0x38;
	[tilespmem:$0x1F400] =	vst v63  }
0xe9: {  	_ =	swait.ge [sflag:s6], $0xC80  }
0xea: {  	s26 =	sld [smem:$0x7FB]  }
0xeb: {  	s25 =	rddreg [dreg:$0x15];
	[sflag:s6] =	ssyncset.done $0x0  }
0xec: {  	[sflag:s6] =	ssyncadd.s32 $0xFFFFF380;
	s14 =	sadd.s32 $0x0, s25  }
0xed: {  	[hbm4b:s14+s2] =	stream.linear.scatter [tilespmem:s26], [sflag:$0x3], $0xC80, $0x38;
	[tilespmem:$0x1F400] =	vst v63  }
0xee: {  	_ =	swait.ge [sflag:s6], $0xC80  }
0xef: {  	s29 =	sld [smem:$0x7FC]  }
0xf0: {  	s28 =	rddreg [dreg:$0x14];
	[sflag:s6] =	ssyncset.done $0x0  }
0xf1: {  	[sflag:s6] =	ssyncadd.s32 $0xFFFFF380;
	s14 =	sadd.s32 $0x0, s28  }
0xf2: {  	[hbm4b:s14+s2] =	stream.linear.scatter [tilespmem:s29], [sflag:$0x3], $0xC80, $0x38;
	[tilespmem:$0x1F400] =	vst v63  }
0xf3: {  	_ =	swait.ge [sflag:s6], $0xC80  }
0xf4: {  	s31 =	sld [smem:$0x7FD]  }
0xf5: {  	s30 =	rddreg [dreg:$0x13];
	[sflag:s6] =	ssyncset.done $0x0  }
0xf6: {  	[sflag:s6] =	ssyncadd.s32 $0xFFFFF380;
	s14 =	sadd.s32 $0x0, s30  }
0xf7: {  	[hbm4b:s14+s2] =	stream.linear.scatter [tilespmem:s31], [sflag:$0x3], $0xC80, $0x38;
	[tilespmem:$0x1F400] =	vst v63  }
0xf8: {  	_ =	swait.ge [sflag:s6], $0xC80  }
0xf9: {  	s14 =	simm.s32 $0x3200;
	[sflag:s6] =	ssyncset.done $0x0  }
.LBB2_2:
0xfa: {  	[sflag:s6] =	ssyncadd.s32 $0xFFFFF380  }
0xfb: {  	_ =	swait.ge [sflag:s9], $0xC800  }
0xfc: {  	s13 =	sadd.s32 $0x640, s13;
	s15 =	smov.u32 s14;
	[sflag:s9] =	ssyncset.done $0x0  }
0xfd: {  	s17 =	sadd.s32 $0xFFFFFCE0, s13;
	s16 =	rddreg [dreg:$0x12];
	[sflag:s9] =	ssyncadd.s32 $0xFFFF3800  }
0xfe: {  	[tilespmem:s10], [sflag:$0x2] =	stream.indirect.gather [hbm4b:s3+s7], $0x40, s17, s7, $0xb8;
	[tilespmem:$0x1F400] =	vst v63  }
0xff: {  	s16 =	sadd.s32 s15, s16  }
0x100: {  	[hbm4b:s16+s2] =	stream.linear.scatter [tilespmem:s8], [sflag:$0x3], $0xC80, $0x38;
	[tilespmem:$0x1F400] =	vst v63  }
0x101: {  	_ =	swait.ge [sflag:s6], $0xC80  }
0x102: {  	s24 =	sld [smem:$0x7E0]  }
0x103: {  	[sflag:s6] =	ssyncset.done $0x0  }
0x104: {  	s18 =	sadd.s32 $0x190, s16;
	[sflag:s6] =	ssyncadd.s32 $0xFFFFF380  }
0x105: {  	[hbm4b:s18+s2] =	stream.linear.scatter [tilespmem:s24], [sflag:$0x3], $0xC80, $0x38;
	[tilespmem:$0x1F400] =	vst v63  }
0x106: {  	_ =	swait.ge [sflag:s6], $0xC80  }
0x107: {  	s26 =	sld [smem:$0x7E1]  }
0x108: {  	s25 =	rddreg [dreg:$0x11];
	[sflag:s6] =	ssyncset.done $0x0  }
0x109: {  	[sflag:s6] =	ssyncadd.s32 $0xFFFFF380;
	s17 =	sadd.s32 s15, s25  }
0x10a: {  	[hbm4b:s17+s2] =	stream.linear.scatter [tilespmem:s26], [sflag:$0x3], $0xC80, $0x38;
	[tilespmem:$0x1F400] =	vst v63  }
0x10b: {  	_ =	swait.ge [sflag:s6], $0xC80  }
0x10c: {  	s29 =	sld [smem:$0x7E2]  }
0x10d: {  	s28 =	rddreg [dreg:$0x10];
	[sflag:s6] =	ssyncset.done $0x0  }
0x10e: {  	[sflag:s6] =	ssyncadd.s32 $0xFFFFF380;
	s17 =	sadd.s32 s15, s28  }
0x10f: {  	[hbm4b:s17+s2] =	stream.linear.scatter [tilespmem:s29], [sflag:$0x3], $0xC80, $0x38;
	[tilespmem:$0x1F400] =	vst v63  }
0x110: {  	_ =	swait.ge [sflag:s6], $0xC80  }
0x111: {  	s31 =	sld [smem:$0x7E3]  }
0x112: {  	s30 =	rddreg [dreg:$0xf];
	[sflag:s6] =	ssyncset.done $0x0  }
0x113: {  	[sflag:s6] =	ssyncadd.s32 $0xFFFFF380;
	s17 =	sadd.s32 s15, s30  }
0x114: {  	[hbm4b:s17+s2] =	stream.linear.scatter [tilespmem:s31], [sflag:$0x3], $0xC80, $0x38;
	[tilespmem:$0x1F400] =	vst v63  }
0x115: {  	_ =	swait.ge [sflag:s6], $0xC80  }
0x116: {  	s20 =	sld [smem:$0x7E4]  }
0x117: {  	s19 =	rddreg [dreg:$0xe];
	[sflag:s6] =	ssyncset.done $0x0  }
0x118: {  	[sflag:s6] =	ssyncadd.s32 $0xFFFFF380;
	s17 =	sadd.s32 s15, s19  }
0x119: {  	[hbm4b:s17+s2] =	stream.linear.scatter [tilespmem:s20], [sflag:$0x3], $0xC80, $0x38;
	[tilespmem:$0x1F400] =	vst v63  }
0x11a: {  	_ =	swait.ge [sflag:s6], $0xC80  }
0x11b: {  	s22 =	sld [smem:$0x7E5]  }
0x11c: {  	s21 =	rddreg [dreg:$0xd];
	[sflag:s6] =	ssyncset.done $0x0  }
0x11d: {  	[sflag:s6] =	ssyncadd.s32 $0xFFFFF380;
	s17 =	sadd.s32 s15, s21  }
0x11e: {  	[hbm4b:s17+s2] =	stream.linear.scatter [tilespmem:s22], [sflag:$0x3], $0xC80, $0x38;
	[tilespmem:$0x1F400] =	vst v63  }
0x11f: {  	_ =	swait.ge [sflag:s6], $0xC80  }
0x120: {  	s24 =	sld [smem:$0x7E6]  }
0x121: {  	s23 =	rddreg [dreg:$0xc];
	[sflag:s6] =	ssyncset.done $0x0  }
0x122: {  	[sflag:s6] =	ssyncadd.s32 $0xFFFFF380;
	s17 =	sadd.s32 s15, s23  }
0x123: {  	[hbm4b:s17+s2] =	stream.linear.scatter [tilespmem:s24], [sflag:$0x3], $0xC80, $0x38;
	[tilespmem:$0x1F400] =	vst v63  }
0x124: {  	_ =	swait.ge [sflag:s6], $0xC80  }
0x125: {  	s26 =	sld [smem:$0x7E7]  }
0x126: {  	s25 =	rddreg [dreg:$0xb];
	[sflag:s6] =	ssyncset.done $0x0  }
0x127: {  	[sflag:s6] =	ssyncadd.s32 $0xFFFFF380;
	s17 =	sadd.s32 s15, s25  }
0x128: {  	[hbm4b:s17+s2] =	stream.linear.scatter [tilespmem:s26], [sflag:$0x3], $0xC80, $0x38;
	[tilespmem:$0x1F400] =	vst v63  }
0x129: {  	_ =	swait.ge [sflag:s6], $0xC80  }
0x12a: {  	s29 =	sld [smem:$0x7E8]  }
0x12b: {  	s28 =	rddreg [dreg:$0xa];
	[sflag:s6] =	ssyncset.done $0x0  }
0x12c: {  	[sflag:s6] =	ssyncadd.s32 $0xFFFFF380;
	s17 =	sadd.s32 s15, s28  }
0x12d: {  	[hbm4b:s17+s2] =	stream.linear.scatter [tilespmem:s29], [sflag:$0x3], $0xC80, $0x38;
	[tilespmem:$0x1F400] =	vst v63  }
0x12e: {  	_ =	swait.ge [sflag:s6], $0xC80  }
0x12f: {  	s31 =	sld [smem:$0x7E9]  }
0x130: {  	s30 =	rddreg [dreg:$0x9];
	[sflag:s6] =	ssyncset.done $0x0  }
0x131: {  	[sflag:s6] =	ssyncadd.s32 $0xFFFFF380;
	s17 =	sadd.s32 s15, s30  }
0x132: {  	[hbm4b:s17+s2] =	stream.linear.scatter [tilespmem:s31], [sflag:$0x3], $0xC80, $0x38;
	[tilespmem:$0x1F400] =	vst v63  }
0x133: {  	_ =	swait.ge [sflag:s6], $0xC80  }
0x134: {  	s20 =	sld [smem:$0x7EA]  }
0x135: {  	s19 =	rddreg [dreg:$0x8];
	[sflag:s6] =	ssyncset.done $0x0  }
0x136: {  	[sflag:s6] =	ssyncadd.s32 $0xFFFFF380;
	s17 =	sadd.s32 s15, s19  }
0x137: {  	[hbm4b:s17+s2] =	stream.linear.scatter [tilespmem:s20], [sflag:$0x3], $0xC80, $0x38;
	[tilespmem:$0x1F400] =	vst v63  }
0x138: {  	_ =	swait.ge [sflag:s6], $0xC80  }
0x139: {  	s22 =	sld [smem:$0x7EB]  }
0x13a: {  	s21 =	rddreg [dreg:$0x7];
	[sflag:s6] =	ssyncset.done $0x0  }
0x13b: {  	[sflag:s6] =	ssyncadd.s32 $0xFFFFF380;
	s17 =	sadd.s32 s15, s21  }
0x13c: {  	[hbm4b:s17+s2] =	stream.linear.scatter [tilespmem:s22], [sflag:$0x3], $0xC80, $0x38;
	[tilespmem:$0x1F400] =	vst v63  }
0x13d: {  	_ =	swait.ge [sflag:s6], $0xC80  }
0x13e: {  	s24 =	sld [smem:$0x7EC]  }
0x13f: {  	s23 =	rddreg [dreg:$0x6];
	[sflag:s6] =	ssyncset.done $0x0  }
0x140: {  	[sflag:s6] =	ssyncadd.s32 $0xFFFFF380;
	s17 =	sadd.s32 s15, s23  }
0x141: {  	[hbm4b:s17+s2] =	stream.linear.scatter [tilespmem:s24], [sflag:$0x3], $0xC80, $0x38;
	[tilespmem:$0x1F400] =	vst v63  }
0x142: {  	_ =	swait.ge [sflag:s6], $0xC80  }
0x143: {  	s26 =	sld [smem:$0x7ED]  }
0x144: {  	s25 =	rddreg [dreg:$0x5];
	[sflag:s6] =	ssyncset.done $0x0  }
0x145: {  	[sflag:s6] =	ssyncadd.s32 $0xFFFFF380;
	s17 =	sadd.s32 s15, s25  }
0x146: {  	[hbm4b:s17+s2] =	stream.linear.scatter [tilespmem:s26], [sflag:$0x3], $0xC80, $0x38;
	[tilespmem:$0x1F400] =	vst v63  }
0x147: {  	_ =	swait.ge [sflag:s6], $0xC80  }
0x148: {  	s29 =	sld [smem:$0x7EE]  }
0x149: {  	s28 =	rddreg [dreg:$0x4];
	[sflag:s6] =	ssyncset.done $0x0  }
0x14a: {  	[sflag:s6] =	ssyncadd.s32 $0xFFFFF380;
	s17 =	sadd.s32 s15, s28  }
0x14b: {  	[hbm4b:s17+s2] =	stream.linear.scatter [tilespmem:s29], [sflag:$0x3], $0xC80, $0x38;
	[tilespmem:$0x1F400] =	vst v63  }
0x14c: {  	_ =	swait.ge [sflag:s6], $0xC80  }
0x14d: {  	[sflag:s6] =	ssyncset.done $0x0  }
0x14e: {  	[sflag:s6] =	ssyncadd.s32 $0xFFFFF380  }
0x14f: {  	_ =	swait.ge [sflag:s11], $0xC800  }
0x150: {  	p1 =	seq.s32 s15, $0x2EE00;
	[sflag:s11] =	ssyncset.done $0x0  }
0x151: {  	s18 =	simm.s32 @!p1 $0x6400;
	s17 =	simm.s32 @!p1 $0x320;
	[sflag:s11] =	ssyncadd.s32 $0xFFFF3800  }
0x152: {  	[tilespmem:s18], [sflag:$0x1] =	stream.indirect.gather @!p1 [hbm4b:s3+s17], $0x40, s13, s17, $0xb8;
	[tilespmem:$0x1F400] =	vst v63  }
0x153: {  	s16 =	sadd.s32 $0x1900, s16  }
0x154: {  	[hbm4b:s16+s2] =	stream.linear.scatter [tilespmem:s10], [sflag:$0x3], $0xC80, $0x38;
	[tilespmem:$0x1F400] =	vst v63  }
0x155: {  	_ =	swait.ge [sflag:s6], $0xC80  }
0x156: {  	s30 =	sld [smem:$0x7DF]  }
0x157: {  	s31 =	sld [smem:$0x7EF]  }
0x158: {  	[sflag:s6] =	ssyncset.done $0x0  }
0x159: {  	[sflag:s6] =	ssyncadd.s32 $0xFFFFF380;
	s16 =	sadd.s32 s15, s30  }
0x15a: {  	[hbm4b:s16+s2] =	stream.linear.scatter [tilespmem:s31], [sflag:$0x3], $0xC80, $0x38;
	[tilespmem:$0x1F400] =	vst v63  }
0x15b: {  	_ =	swait.ge [sflag:s6], $0xC80  }
0x15c: {  	s17 =	sld [smem:$0x7DE]  }
0x15d: {  	s18 =	sld [smem:$0x7F0]  }
0x15e: {  	[sflag:s6] =	ssyncset.done $0x0  }
0x15f: {  	[sflag:s6] =	ssyncadd.s32 $0xFFFFF380;
	s16 =	sadd.s32 s15, s17  }
0x160: {  	[hbm4b:s16+s2] =	stream.linear.scatter [tilespmem:s18], [sflag:$0x3], $0xC80, $0x38;
	[tilespmem:$0x1F400] =	vst v63  }
0x161: {  	_ =	swait.ge [sflag:s6], $0xC80  }
0x162: {  	s20 =	sld [smem:$0x7F1]  }
0x163: {  	s19 =	rddreg [dreg:$0x1f];
	[sflag:s6] =	ssyncset.done $0x0  }
0x164: {  	[sflag:s6] =	ssyncadd.s32 $0xFFFFF380;
	s16 =	sadd.s32 s15, s19  }
0x165: {  	[hbm4b:s16+s2] =	stream.linear.scatter [tilespmem:s20], [sflag:$0x3], $0xC80, $0x38;
	[tilespmem:$0x1F400] =	vst v63  }
0x166: {  	_ =	swait.ge [sflag:s6], $0xC80  }
0x167: {  	s22 =	sld [smem:$0x7F2]  }
0x168: {  	s21 =	rddreg [dreg:$0x1e];
	[sflag:s6] =	ssyncset.done $0x0  }
0x169: {  	[sflag:s6] =	ssyncadd.s32 $0xFFFFF380;
	s16 =	sadd.s32 s15, s21  }
0x16a: {  	[hbm4b:s16+s2] =	stream.linear.scatter [tilespmem:s22], [sflag:$0x3], $0xC80, $0x38;
	[tilespmem:$0x1F400] =	vst v63  }
0x16b: {  	_ =	swait.ge [sflag:s6], $0xC80  }
0x16c: {  	s24 =	sld [smem:$0x7F3]  }
0x16d: {  	s23 =	rddreg [dreg:$0x1d];
	[sflag:s6] =	ssyncset.done $0x0  }
0x16e: {  	[sflag:s6] =	ssyncadd.s32 $0xFFFFF380;
	s16 =	sadd.s32 s15, s23  }
0x16f: {  	[hbm4b:s16+s2] =	stream.linear.scatter [tilespmem:s24], [sflag:$0x3], $0xC80, $0x38;
	[tilespmem:$0x1F400] =	vst v63  }
0x170: {  	_ =	swait.ge [sflag:s6], $0xC80  }
0x171: {  	s26 =	sld [smem:$0x7F4]  }
0x172: {  	s25 =	rddreg [dreg:$0x1c];
	[sflag:s6] =	ssyncset.done $0x0  }
0x173: {  	[sflag:s6] =	ssyncadd.s32 $0xFFFFF380;
	s16 =	sadd.s32 s15, s25  }
0x174: {  	[hbm4b:s16+s2] =	stream.linear.scatter [tilespmem:s26], [sflag:$0x3], $0xC80, $0x38;
	[tilespmem:$0x1F400] =	vst v63  }
0x175: {  	_ =	swait.ge [sflag:s6], $0xC80  }
0x176: {  	s29 =	sld [smem:$0x7F5]  }
0x177: {  	s28 =	rddreg [dreg:$0x1b];
	[sflag:s6] =	ssyncset.done $0x0  }
0x178: {  	[sflag:s6] =	ssyncadd.s32 $0xFFFFF380;
	s16 =	sadd.s32 s15, s28  }
0x179: {  	[hbm4b:s16+s2] =	stream.linear.scatter [tilespmem:s29], [sflag:$0x3], $0xC80, $0x38;
	[tilespmem:$0x1F400] =	vst v63  }
0x17a: {  	_ =	swait.ge [sflag:s6], $0xC80  }
0x17b: {  	s31 =	sld [smem:$0x7F6]  }
0x17c: {  	s30 =	rddreg [dreg:$0x1a];
	[sflag:s6] =	ssyncset.done $0x0  }
0x17d: {  	[sflag:s6] =	ssyncadd.s32 $0xFFFFF380;
	s16 =	sadd.s32 s15, s30  }
0x17e: {  	[hbm4b:s16+s2] =	stream.linear.scatter [tilespmem:s31], [sflag:$0x3], $0xC80, $0x38;
	[tilespmem:$0x1F400] =	vst v63  }
0x17f: {  	_ =	swait.ge [sflag:s6], $0xC80  }
0x180: {  	s18 =	sld [smem:$0x7F7]  }
0x181: {  	s17 =	rddreg [dreg:$0x19];
	[sflag:s6] =	ssyncset.done $0x0  }
0x182: {  	[sflag:s6] =	ssyncadd.s32 $0xFFFFF380;
	s16 =	sadd.s32 s15, s17  }
0x183: {  	[hbm4b:s16+s2] =	stream.linear.scatter [tilespmem:s18], [sflag:$0x3], $0xC80, $0x38;
	[tilespmem:$0x1F400] =	vst v63  }
0x184: {  	_ =	swait.ge [sflag:s6], $0xC80  }
0x185: {  	s20 =	sld [smem:$0x7F8]  }
0x186: {  	s19 =	rddreg [dreg:$0x18];
	[sflag:s6] =	ssyncset.done $0x0  }
0x187: {  	[sflag:s6] =	ssyncadd.s32 $0xFFFFF380;
	s16 =	sadd.s32 s15, s19  }
0x188: {  	[hbm4b:s16+s2] =	stream.linear.scatter [tilespmem:s20], [sflag:$0x3], $0xC80, $0x38;
	[tilespmem:$0x1F400] =	vst v63  }
0x189: {  	_ =	swait.ge [sflag:s6], $0xC80  }
0x18a: {  	s22 =	sld [smem:$0x7F9]  }
0x18b: {  	s21 =	rddreg [dreg:$0x17];
	[sflag:s6] =	ssyncset.done $0x0  }
0x18c: {  	[sflag:s6] =	ssyncadd.s32 $0xFFFFF380;
	s16 =	sadd.s32 s15, s21  }
0x18d: {  	[hbm4b:s16+s2] =	stream.linear.scatter [tilespmem:s22], [sflag:$0x3], $0xC80, $0x38;
	[tilespmem:$0x1F400] =	vst v63  }
0x18e: {  	_ =	swait.ge [sflag:s6], $0xC80  }
0x18f: {  	s24 =	sld [smem:$0x7FA]  }
0x190: {  	s23 =	rddreg [dreg:$0x16];
	[sflag:s6] =	ssyncset.done $0x0  }
0x191: {  	[sflag:s6] =	ssyncadd.s32 $0xFFFFF380;
	s16 =	sadd.s32 s15, s23  }
0x192: {  	[hbm4b:s16+s2] =	stream.linear.scatter [tilespmem:s24], [sflag:$0x3], $0xC80, $0x38;
	[tilespmem:$0x1F400] =	vst v63  }
0x193: {  	_ =	swait.ge [sflag:s6], $0xC80  }
0x194: {  	s26 =	sld [smem:$0x7FB]  }
0x195: {  	s25 =	rddreg [dreg:$0x15];
	[sflag:s6] =	ssyncset.done $0x0  }
0x196: {  	[sflag:s6] =	ssyncadd.s32 $0xFFFFF380;
	s16 =	sadd.s32 s15, s25  }
0x197: {  	[hbm4b:s16+s2] =	stream.linear.scatter [tilespmem:s26], [sflag:$0x3], $0xC80, $0x38;
	[tilespmem:$0x1F400] =	vst v63  }
0x198: {  	_ =	swait.ge [sflag:s6], $0xC80  }
0x199: {  	s29 =	sld [smem:$0x7FC]  }
0x19a: {  	s28 =	rddreg [dreg:$0x14];
	[sflag:s6] =	ssyncset.done $0x0  }
0x19b: {  	[sflag:s6] =	ssyncadd.s32 $0xFFFFF380;
	s16 =	sadd.s32 s15, s28  }
0x19c: {  	[hbm4b:s16+s2] =	stream.linear.scatter [tilespmem:s29], [sflag:$0x3], $0xC80, $0x38;
	[tilespmem:$0x1F400] =	vst v63  }
0x19d: {  	s14 =	sadd.s32 $0x3200, s14;
	_ =	swait.ge [sflag:s6], $0xC80  }
0x19e: {  	p0 =	sne.s32 s14, $0x32000;
	s31 =	sld [smem:$0x7FD]  }
.Ltmp0:
0x19f: {  	s30 =	rddreg [dreg:$0x13];
	[sflag:s6] =	ssyncset.done $0x0;
	(pc) =	sbr.rel @p0 .LBB2_2-.Ltmp0, $4  }
0x1a0: {  	[sflag:s6] =	ssyncadd.s32 $0xFFFFF380;
	s15 =	sadd.s32 s15, s30  }
0x1a1: {  	[hbm4b:s15+s2] =	stream.linear.scatter [tilespmem:s31], [sflag:$0x3], $0xC80, $0x38;
	[tilespmem:$0x1F400] =	vst v63  }
0x1a2: {  	_ =	swait.ge [sflag:s6], $0xC80  }
0x1a3: {  	[sflag:s6] =	ssyncset.done $0x0  }
0x1a4: {  	s12 =	sadd.s32 $0x1, s12  }
0x1a5: {  	p0 =	sne.s32 s12, s5  }
.Ltmp1:
0x1a6: {  	_ = 	snop;
	(pc) =	sbr.rel @p0 .LBB2_1-.Ltmp1, $2  }
0x1a7: {  	_ =	sdelay $0x2  }
0x1a8: {  	[sflag:s6] =	ssyncadd.s32 $0xFFFFF380  }
0x1a9: {  	_ =	sfence.sel $0x180000  }
0x1aa: {  	[bflag:$0x0] =	sbarrier.arrive $0xFFFF  }
0x1ab: {  	p0 =	sne.s32 s0, $0x0;
	_ =	strace $0x90000047  }
0x1ac: {  	s0 =	sadd.s32 @!p0 $0x100000, s1;
	[bflag:$0x2] =	sbarrier.arrive $0xFFFF  }
0x1ad: {  	[sflag:s0] =	ssyncadd.tile.s32 @!p0 $0x1;
	_ =	shalt  }
.Lfunc_end2:
_tile_overlayer_lowered:
.L_overlay_start_2:
0x1ae: {  	(tag) =	ssettag $0x2  }
0x1af: {  	s0 =	rddreg [dreg:$0x0];
	s2 =	stileid.u32  }
0x1b0: {  	s1 =	rddreg [dreg:$0x1];
	p0 =	sne.s32 s2, $0x0  }
0x1b1: {  	s3 =	rddreg [dreg:$0x2];
	[bflag:$0x3] =	sbarrier.arrive $0xFFFF;
	s2 =	simm.s32 @!p0 $0x1C03  }
0x1b2: {  	[timem:s3], [sflag:s2] =	dma.local @!p0 [hbm:s0], s1  }
0x1b3: {  	s0 =	simm.s32 @!p0 $0x3  }
0x1b4: {  	_ =	swait.ge @!p0 [sflag:s0], s1  }
0x1b5: {  	s1 =	ssub.s32 @!p0 $0x0, s1;
	[sflag:s0] =	ssyncset.done @!p0 $0x0  }
0x1b6: {  	[sflag:s0] =	ssyncadd.s32 @!p0 s1  }
0x1b7: {  	[bflag:$0x3] =	sbarrier.arrive $0xFFFF  }
0x1b8: {  	_ =	shalt  }

// kernel: sparse-core-data-format-call.cloned.1.call-start
scs
called_computation_lowered:
.L_overlay_start_0:
0x0: {  	s2 =	sld [smem:$0x3FD9]  }
0x1: {  	s3 =	sld [smem:$0x3FFE];
	_ =	sdelay $0x1  }
0x2: {  	s1 =	srdreg.scid  }
0x3: {  	s0 =	sand.u32 $0x1, s1  }
0x4: {  	s18 =	sshll.u32 s0, $0xA;
	s2 =	sadd.s32 s3, s2  }
0x5: {  	s2 =	sadd.s32 s2, s18  }
0x6: {  	[smem:$0x3FC6] =	sst s2  }
0x7: {  	_ = 	snop  }
0x8: {  	s2 =	sld [smem:$0x3FD0];
	(tm) =	ssettm $0x1  }
0x9: {  	s19 =	sld [smem:$0x3FFB];
	_ =	sdelay $0x3  }
0xa: {  	_ =	strace s19  }
0xb: {  	s3 =	sld [smem:$0x3FFC];
	_ =	sdelay $0x3  }
0xc: {  	_ =	strace s3  }
0xd: {  	s3 =	sld [smem:$0x3FFD];
	_ =	sdelay $0x3  }
0xe: {  	_ =	strace s3  }
0xf: {  	_ =	strace $0x8FFFFFFF  }
0x10: {  	s20 =	sld [smem:$0x3FDB];
	_ =	sdelay $0x1  }
0x11: {  	s4 =	simm.s32 $_scs_section_size  }
0x12: {  	s5 =	simm.s32 $_size__tile_overlayer_lowered;
	s6 =	simm.s32 $_tile_overlayer_lowered  }
0x13: {  	s23 =	simm.s32 $0x1BFF;
	s22 =	sshll.u32 s6, $0x1;
	s3 =	sadd.s32 s4, s20  }
0x14: {  	s7 =	simm.s32 $0x0;
	s21 =	sshll.u32 s5, $0x1;
	s5 =	sadd.s32 s22, s3  }
0x15: {  	[timem:s7], [sflag:s23] =	dma.local [hbm:s5], s21  }
0x16: {  	_ =	swait.ge [sflag:s23], s21  }
0x17: {  	s4 =	ssub.s32 $0x0, s21;
	[sflag:s23] =	ssyncset.done $0x0  }
0x18: {  	[sflag:s23] =	ssyncadd.s32 s4;
	_ =	sdelay $0x1  }
0x19: {  	s24 =	simm.s32 $0x1B8B  }
0x1a: {  	_ =	swait.ge [sflag:s24], $0x1  }
0x1b: {  	[sflag:s24] =	ssyncset.done $0x0  }
0x1c: {  	s26 =	simm.s32 $0x1B8E;
	s25 =	sld [smem:$0x3FFE];
	[sflag:s24] =	ssyncadd.s32 $0xFFFFFFFF  }
0x1d: {  	s27 =	simm.s32 $execute0_lowered;
	[smem:$0x3FD2] =	sst s26  }
0x1e: {  	s5 =	sshll.u32 s27, $0x1;
	_ =	strace $0x80000049;
	[dreg:$0x1] =	wrdreg $0xFFFFFFFF  }
0x1f: {  	s28 =	simm.s32 $_size_execute0_lowered;
	s3 =	sadd.s32 s3, s5;
	[dreg:$0x0] =	wrdreg $0x0  }
0x20: {  	s5 =	sshll.u32 s28, $0x1;
	[dreg:$0x2] =	wrdreg s3  }
0x21: {  	[dreg:$0x3] =	wrdreg s5  }
0x22: {  	[dreg:$0x4] =	wrdreg $0xC0  }
0x23: {  	_ =	task [dreg:s7], $0x5FFFF  }
0x24: {  	[dreg:$0x1] =	wrdreg $0xFFFFFFFF  }
0x25: {  	[dreg:$0x0] =	wrdreg $0x60  }
0x26: {  	[dreg:$0x2] =	wrdreg s25  }
0x27: {  	[dreg:$0x3] =	wrdreg s2  }
0x28: {  	[dreg:$0x4] =	wrdreg $0x9  }
0x29: {  	_ =	task.clear_ibuf [dreg:s7], $0x5FFFF;
	_ =	strace $0x90000049  }
0x2a: {  	s29 =	simm.s32 $0x9;
	_ =	strace $0x8000004B  }
0x2b: {  	_ =	swait.ge [sflag:s29], $0x1  }
0x2c: {  	[sflag:s29] =	ssyncadd.s32 $0xFFFFFFFF  }
0x2d: {  	_ =	strace $0x9000004B  }
0x2e: {  	_ =	sfence  }
0x2f: {  	s30 =	sld [smem:$0x0];
	_ =	sdelay $0x2  }
0x30: {  	s31 =	sshll.u32 s1, $0xD;
	s1 =	sshrl.u32 s1, $0x2  }
0x31: {  	s3 =	sand.u32 $0x4000, s31;
	s1 =	sadd.s32 s1, s30  }
0x32: {  	s0 =	sor.u32 s3, s0;
	s1 =	sshll.u32 s1, $0x11  }
0x33: {  	s0 =	sor.u32 s1, s0  }
0x34: {  	s0 =	sadd.s32 $0x8F2B, s0  }
0x35: {  	[sflag:s0] =	ssyncadd.remote.s32 $0x1  }
0x36: {  	_ =	sfence.sel $0xFFFF  }
0x37: {  	[dreg:$0x0] =	wrdreg $0xFFFFFFFF;
	(pc) =	sbr.abs _section_cstart, $3  }
0x38: {  	[dreg:$0x1] =	wrdreg $0xFFFFFFFF  }
0x39: {  	_ =	task.clear_ibuf [dreg:s7], $0x2FFFF;
	_ =	strace $0x9FFFFFFF  }
0x3a: {  	(tm) =	ssettm $0x7FFFFFFF  }
0x3b: {  	_ =	shalt  }
tec
execute0_lowered:
.L_overlay_start_1:
0x0: {  	(tag) =	ssettag $0x1  }
0x1: {  	s0 =	srdreg.scid  }
0x2: {  	s1 =	sshll.u32 s0, $0x4  }
0x3: {  	s0 =	stileid.u32;
	s1 =	sand.u32 $0x10, s1  }
0x4: {  	s1 =	sor.u32 s0, s1  }
0x5: {  	s6 =	rddreg [dreg:$0x0];
	s4 =	simm.s32 $0x1;
	s2 =	sshll.u32 s1, $0x7  }
0x6: {  	s7 =	simm.s32 $0x2;
	s12 =	simm.s32 $0x0;
	s1 =	ssub.s32 $0x4000, s2  }
0x7: {  	s8 =	simm.s32 $0x20000;
	s13 =	simm.s32 $0x0;
	s3 =	sand.u32 $0xF80, s1  }
0x8: {  	s9 =	simm.s32 $0x0;
	s5 =	sshrl.u32 s1, $0xC;
	p0 =	sne.s32 s3, $0x0  }
.Ltmp0:
0x9: {  	s1 =	rddreg [dreg:$0x2];
	s4 =	simm.s32 @!p0 $0x0;
	(pc) =	sbr.rel .LBB1_1-.Ltmp0, $4  }
0xa: {  	s11 =	simm.s32 $0x0;
	s3 =	rddreg [dreg:$0x1];
	s5 =	sadd.s32 s4, s5  }
0xb: {  	_ =	strace $0x8000004A;
	s4 =	simm.s32 $0x1;
	s5 =	smul.u32 $0x32, s5  }
0xc: {  	s6 =	sadd.s32 $0x800, s6;
	s10 =	smov.u32 s2;
	[sflag:s4] =	ssyncpa.u1 $0x0  }
0xd: {  	p0 =	por $0x0, $0x0;
	[sflag:s7] =	ssyncpa.u1 $0x0;
	s7 =	sor.u32 $0x1, s5  }
.LBB1_4:
0xe: {  	s16 =	sshll.u32 s13, $0x3;
	s17 =	sand.u32 $0x78, s13  }
0xf: {  	s30 =	sand.u32 $0x1F800, s13;
	s12 =	sshll.u32 s12, $0x11;
	s16 =	sand.u32 $0x3C00, s16  }
0x10: {  	[tilespmem:s15+$0x810 ss:$0x81] =	vst.msk $0xffff, v2;
	s31 =	sand.u32 $0x7, s13;
	s16 =	sor.u32 s17, s16;
	s17 =	sadd.s32 s3, s30  }
0x11: {  	[tilespmem:s15+$0x1020 ss:$0x81] =	vst.msk $0xffff, v0;
	s13 =	sshll.u32 s31, $0x12;
	s12 =	sadd.s32 s12, s17;
	s16 =	sshrl.u32 s16, $0x3  }
0x12: {  	[tilespmem:s15+$0x0 ss:$0x81] =	vst.msk $0xffff, v1;
	s13 =	sor.u32 $0x400, s13;
	s12 =	sadd.s32 s16, s12  }
0x13: {  	[hbm4b:s12+s13] =	stream.strided.scatter [tilespmem:s14], [sflag:$0x2], $0x2000, s8, s13, $0x20;
	[tilespmem:$0x8080] =	vst v63  }
.LBB1_5:
0x14: {  	s14 =	sadd.s32 $0x1, s9  }
0x15: {  	s12 =	sadd.s32 $0x1000, s10;
	s16 =	smov.u32 s10;
	p2 =	sgt.s32 s14, $0x31  }
0x16: {  	s16 =	smov.u32 @p2 s12  }
0x17: {  	s14 =	simm.s32 @p2 $0x0;
	p2 =	sgt.s32 s16, $0x3FFF  }
0x18: {  	s16 =	smov.u32 @p2 s2;
	p2 =	sne.s32 s11, s7  }
.Ltmp1:
0x19: {  	p1 =	slt.u32 s11, $0x2;
	(pc) =	sbr.rel @!p2 .LBB1_6-.Ltmp1, $4  }
0x1a: {  	s15 =	simm.s32 @!p1 $0x2  }
0x1b: {  	s13 =	smov.u32 s10;
	p0 =	por !p0, !p0;
	_ =	swait.ge @!p1 [sflag:s15], $0x2000  }
0x1c: {  	s12 =	smov.u32 s9;
	[sflag:s15] =	ssyncset.done @!p1 $0x0;
	s9 =	smov.u32 s14  }
0x1d: {  	s11 =	sadd.s32 $0x1, s11;
	[sflag:s15] =	ssyncadd.s32 @!p1 $0xFFFFE000;
	s10 =	smov.u32 s16  }
.LBB1_1:
0x1e: {  	p1 =	sge.u32 s11, s5  }
0x1f: {  	s14 =	sand.u32 @!p1 $0x1FFFFFF, s9  }
0x20: {  	s15 =	smulhi.u32 @!p1 $0x4924925, s14;
	_ =	sdelay $0x1  }
0x21: {  	s15 =	smul.u32 @!p1 $0x38, s15  }
0x22: {  	s16 =	sxor.u32 @!p1 $0xFFFFFFFF, s11;
	s17 =	smul.u32 @!p1 $0x380, s10  }
0x23: {  	s31 =	sadd.s32 $0xFFFFFFFF, s11;
	s16 =	sshll.u32 @!p1 s16, $0xD;
	s14 =	ssub.s32 @!p1 s14, s15  }
0x24: {  	s15 =	sand.u32 @!p1 $0x2000, s16;
	s16 =	sadd.s32 @!p1 s6, s17;
	s14 =	sshll.u32 @!p1 s14, $0x4  }
0x25: {  	s17 =	simm.s32 @!p1 $0x1C00;
	s14 =	sadd.s32 @!p1 s14, s16;
	s16 =	simm.s32 @!p1 $0x40  }
0x26: {  	[tilespmem:s15], [sflag:$0x1] =	stream.strided.gather @!p1 [hbm4b:s14+s16], $0x2000, s17, s16, $0x38;
	[tilespmem:$0x8080] =	vst v63  }
0x27: {  	p1 =	sge.u32 s31, s5  }
.Ltmp2:
0x28: {  	_ = 	snop;
	(pc) =	sbr.rel @p1 .LBB1_5-.Ltmp2, $1  }
0x29: {  	_ =	sdelay $0x3  }
0x2a: {  	s14 =	simm.s32 $0x1  }
0x2b: {  	_ =	swait.ge [sflag:s4], $0x2000;
	s14 =	simm.s32 @!p0 $0x0  }
0x2c: {  	[sflag:s4] =	ssyncset.done $0x0;
	s15 =	sshll.u32 s14, $0xD  }
0x2d: {  	[sflag:s4] =	ssyncadd.s32 $0xFFFFE000;
	s18 =	sor.u32 $0x20, s15  }
0x2e: {  	s14 =	smul.u32 $0x8100, s14;
	v3 =	vld [tilespmem:s18+$0x10]  }
0x2f: {  	s30 =	sand.u32 $0x1, s11;
	v2 =	vld [tilespmem:s18+$0xFFFFFFF0]  }
0x30: {  	s15 =	smul.u32 $0x8100, s30;
	s14 =	sshrl.u32 s14, $0x2;
	v0 =	vld [tilespmem:s18+$0x0]  }
0x31: {  	v1 =	vld [tilespmem:s18+$0xFFFFFFE0];
	s16 =	sor.u32 $0x4000, s14  }
0x32: {  	s31 =	sshrl.u32 s15, $0x2;
	s15 =	sadd.s32 $0x0, s16  }
0x33: {  	s17 =	simm.s32 $0x4;
	s18 =	sadd.s32 $0x40, s18;
	s14 =	sor.u32 $0x4000, s31;
	[tilespmem:s15+$0x1830 ss:$0x81] =	vst.msk $0xffff, v3  }
.LBB1_3:
0x34: {  	v3 =	vld [tilespmem:s18+$0x10];
	p1 =	sne.s32 s17, $0x1FC;
	[tilespmem:s15+$0x810 ss:$0x81] =	vst.msk $0xffff, v2;
	s19 =	smov.u32 s17;
	s17 =	sadd.s32 $0x4, s17  }
.Ltmp3:
0x35: {  	v2 =	vld [tilespmem:s18+$0xFFFFFFF0];
	[tilespmem:s15+$0x1020 ss:$0x81] =	vst.msk $0xffff, v0;
	(pc) =	sbr.rel @p1 .LBB1_3-.Ltmp3, $4  }
0x36: {  	v0 =	vld [tilespmem:s18+$0x0];
	[tilespmem:s15+$0x0 ss:$0x81] =	vst.msk $0xffff, v1  }
0x37: {  	s15 =	sshra.s32 s19, $0x2;
	v1 =	vld [tilespmem:s18+$0xFFFFFFE0]  }
0x38: {  	s15 =	sadd.s32 s15, s16  }
0x39: {  	s18 =	sadd.s32 $0x40, s18;
	[tilespmem:s15+$0x1830 ss:$0x81] =	vst.msk $0xffff, v3  }
.Ltmp4:
0x3a: {  	_ = 	snop;
	(pc) =	sbr.rel .LBB1_4-.Ltmp4, $1  }
0x3b: {  	_ =	sdelay $0x3  }
.LBB1_6:
0x3c: {  	_ =	sfence.sel $0x180000  }
0x3d: {  	s2 =	simm.s32 $0x1;
	[bflag:$0x0] =	sbarrier.arrive $0xFFFF  }
0x3e: {  	s31 =	simm.s32 $0x2;
	[sflag:s2] =	ssyncpa.u1 $0x1  }
0x3f: {  	[sflag:s31] =	ssyncpa.u1 $0x1  }
0x40: {  	p0 =	sne.s32 s0, $0x0;
	_ =	strace $0x9000004A  }
0x41: {  	s0 =	sadd.s32 @!p0 $0x100000, s1;
	[bflag:$0x2] =	sbarrier.arrive $0xFFFF  }
0x42: {  	[sflag:s0] =	ssyncadd.tile.s32 @!p0 $0x1;
	_ =	shalt  }
.Lfunc_end1:
_tile_overlayer_lowered:
.L_overlay_start_2:
0x43: {  	(tag) =	ssettag $0x2  }
0x44: {  	s0 =	rddreg [dreg:$0x0];
	s2 =	stileid.u32  }
0x45: {  	s1 =	rddreg [dreg:$0x1];
	p0 =	sne.s32 s2, $0x0  }
0x46: {  	s3 =	rddreg [dreg:$0x2];
	[bflag:$0x3] =	sbarrier.arrive $0xFFFF;
	s2 =	simm.s32 @!p0 $0x1C01  }
0x47: {  	[timem:s3], [sflag:s2] =	dma.local @!p0 [hbm:s0], s1  }
0x48: {  	s0 =	simm.s32 @!p0 $0x1  }
0x49: {  	_ =	swait.ge @!p0 [sflag:s0], s1  }
0x4a: {  	s1 =	ssub.s32 @!p0 $0x0, s1;
	[sflag:s0] =	ssyncset.done @!p0 $0x0  }
0x4b: {  	[sflag:s0] =	ssyncadd.s32 @!p0 s1  }
0x4c: {  	[bflag:$0x3] =	sbarrier.arrive $0xFFFF  }
0x4d: {  	_ =	shalt  }

</sc_bundles>
